<compile_context>
chip_gen: v7x
topology: tpu7x:2x2x1
jax: 0.10.2.dev20260603
libtpu: 0.0.44.dev20260713+nightly
codegen_flags: <defaults>
</compile_context>

<pallas_src>
import functools

import jax
import jax.numpy as jnp
from jax import lax
from jax.experimental import pallas as pl
from jax.experimental.pallas import tpu as pltpu
from jax.experimental.pallas import tpu_sc as plsc

_NC = 2
_NS = 16
_CH = 128
_NP = 10240
_ZR = 128
_TCB = 1000


def _make_degree(n, e):
  nc, ns, ch = _NC, _NS, _CH
  ew = e // (nc * ns)
  nfull = ew // ch
  rem = ew - nfull * ch
  npad = _NP
  rpt = npad // ns
  zr = _ZR
  nz = rpt // zr
  w = 16
  mesh = plsc.VectorSubcoreMesh(core_axis_name="c", subcore_axis_name="s")

  @functools.partial(
      pl.kernel,
      mesh=mesh,
      out_type=jax.ShapeDtypeStruct((nc * npad, w), jnp.float32),
      scratch_types=[
          pltpu.VMEM((ch,), jnp.int32),
          pltpu.VMEM((max(rem, 8),), jnp.int32),
          pltpu.VMEM((ch, w), jnp.float32),
          pltpu.VMEM((zr, w), jnp.float32),
          pltpu.VMEM_SHARED((npad, w), jnp.float32),
      ],
  )
  def deg_kernel(dst_hbm, out_hbm, didx, didx_r, ones_v, zbuf, acc):
    c = lax.axis_index("c")
    s = lax.axis_index("s")

    def fill_ones(i, _):
      ones_v[i, :] = jnp.ones((16,), jnp.float32)
      return 0

    lax.fori_loop(0, ch, fill_ones, 0)

    def fill_zeros(i, _):
      zbuf[i, :] = jnp.zeros((16,), jnp.float32)
      return 0

    lax.fori_loop(0, zr, fill_zeros, 0)

    def zcp(k, _):
      pltpu.sync_copy(zbuf, acc.at[pl.ds(s * rpt + k * zr, zr)])
      return 0

    lax.fori_loop(0, nz, zcp, 0)
    plsc.subcore_barrier()

    base = (c * ns + s) * ew

    def chunk(k, _):
      pltpu.sync_copy(dst_hbm.at[pl.ds(base + k * ch, ch)], didx)
      pltpu.sync_copy(ones_v, acc.at[didx], add=True)
      return 0

    lax.fori_loop(0, nfull, chunk, 0)
    if rem:
      pltpu.sync_copy(dst_hbm.at[pl.ds(base + nfull * ch, rem)], didx_r)
      pltpu.sync_copy(ones_v.at[pl.ds(0, rem)], acc.at[didx_r], add=True)
    plsc.subcore_barrier()

    def wout(k, _):
      r = s * rpt + k * zr
      pltpu.sync_copy(acc.at[pl.ds(r, zr)],
                      out_hbm.at[pl.ds(c * npad + r, zr)])
      return 0

    lax.fori_loop(0, nz, wout, 0)

  return deg_kernel


def _make_agg(n, e, d):
  nc, ns, ch = _NC, _NS, _CH
  ew = e // (nc * ns)
  nfull = ew // ch
  rem = ew - nfull * ch
  npad = _NP
  rpt = npad // ns
  zr = _ZR
  nz = rpt // zr
  mesh = plsc.VectorSubcoreMesh(core_axis_name="c", subcore_axis_name="s")

  @functools.partial(
      pl.kernel,
      mesh=mesh,
      out_type=jax.ShapeDtypeStruct((nc * npad, d), jnp.float32),
      scratch_types=[
          pltpu.VMEM((ch,), jnp.int32),
          pltpu.VMEM((ch,), jnp.int32),
          pltpu.VMEM((max(rem, 8),), jnp.int32),
          pltpu.VMEM((max(rem, 8),), jnp.int32),
          pltpu.VMEM((ch, d), jnp.float32),
          pltpu.VMEM((zr, d), jnp.float32),
          pltpu.VMEM_SHARED((npad, d), jnp.float32),
          pltpu.SemaphoreType.DMA,
      ],
  )
  def agg_kernel(h_hbm, src_hbm, dst_hbm, out_hbm, sidx, didx, sidx_r,
                 didx_r, rows, zbuf, acc, sem):
    c = lax.axis_index("c")
    s = lax.axis_index("s")

    def fz(i, _):
      def fz2(j, _):
        zbuf[i, pl.ds(j * 16, 16)] = jnp.zeros((16,), jnp.float32)
        return 0

      return lax.fori_loop(0, d // 16, fz2, 0)

    lax.fori_loop(0, zr, fz, 0)

    def zcp(k, _):
      pltpu.sync_copy(zbuf, acc.at[pl.ds(s * rpt + k * zr, zr)])
      return 0

    lax.fori_loop(0, nz, zcp, 0)
    plsc.subcore_barrier()

    base = (c * ns + s) * ew

    def chunk(k, _):
      off = base + k * ch
      pltpu.sync_copy(src_hbm.at[pl.ds(off, ch)], sidx)
      pltpu.sync_copy(dst_hbm.at[pl.ds(off, ch)], didx)
      pltpu.async_copy(h_hbm.at[sidx], rows, sem).wait()
      pltpu.sync_copy(rows, acc.at[didx], add=True)
      return 0

    lax.fori_loop(0, nfull, chunk, 0)
    if rem:
      off = base + nfull * ch
      pltpu.sync_copy(src_hbm.at[pl.ds(off, rem)], sidx_r)
      pltpu.sync_copy(dst_hbm.at[pl.ds(off, rem)], didx_r)
      pltpu.async_copy(h_hbm.at[sidx_r], rows.at[pl.ds(0, rem)], sem).wait()
      pltpu.sync_copy(rows.at[pl.ds(0, rem)], acc.at[didx_r], add=True)
    plsc.subcore_barrier()

    def wout(k, _):
      r = s * rpt + k * zr
      pltpu.sync_copy(acc.at[pl.ds(r, zr)],
                      out_hbm.at[pl.ds(c * npad + r, zr)])
      return 0

    lax.fori_loop(0, nz, wout, 0)

  return agg_kernel


def _dinv_of(deg_ref):
  dsum = (deg_ref[0] + deg_ref[1])[:, 0:1] + 1.0
  return lax.rsqrt(dsum)


def _tc1_body(x_ref, w_ref, deg_ref, o_ref):
  dinv = _dinv_of(deg_ref)
  h = jnp.dot(x_ref[...], w_ref[...], preferred_element_type=jnp.float32)
  o_ref[...] = h * dinv


def _tc2_body(a_ref, h_ref, deg_ref, w_ref, b_ref, o_ref):
  dinv = _dinv_of(deg_ref)
  tot = a_ref[0] + a_ref[1] + h_ref[...]
  g = jnp.maximum(tot * dinv + b_ref[...], 0.0)
  h2 = jnp.dot(g, w_ref[...], preferred_element_type=jnp.float32)
  o_ref[...] = h2 * dinv


def _tc3_body(a_ref, h_ref, deg_ref, b_ref, o_ref):
  dinv = _dinv_of(deg_ref)
  d_out = o_ref.shape[1]
  t = ((a_ref[0] + a_ref[1] + h_ref[...]) * dinv)[:, :d_out] + b_ref[...]
  m = jnp.max(t, axis=1, keepdims=True)
  ex = t - m
  lse = jnp.log(jnp.sum(jnp.exp(ex), axis=1, keepdims=True))
  o_ref[...] = ex - lse


def _tc1(x, w1, deg3):
  n, d_in = x.shape
  d_hid = w1.shape[1]
  b = _TCB
  return pl.pallas_call(
      _tc1_body,
      grid=(n // b,),
      in_specs=[
          pl.BlockSpec((b, d_in), lambda i: (i, 0)),
          pl.BlockSpec((d_in, d_hid), lambda i: (0, 0)),
          pl.BlockSpec((2, b, 16), lambda i: (0, i, 0)),
      ],
      out_specs=pl.BlockSpec((b, d_hid), lambda i: (i, 0)),
      out_shape=jax.ShapeDtypeStruct((n, d_hid), jnp.float32),
  )(x, w1, deg3)


def _tc2(acc3, h1p, deg3, w2, b1):
  n, d_hid = h1p.shape
  d_out = w2.shape[1]
  b = _TCB
  return pl.pallas_call(
      _tc2_body,
      grid=(n // b,),
      in_specs=[
          pl.BlockSpec((2, b, d_hid), lambda i: (0, i, 0)),
          pl.BlockSpec((b, d_hid), lambda i: (i, 0)),
          pl.BlockSpec((2, b, 16), lambda i: (0, i, 0)),
          pl.BlockSpec((d_hid, d_out), lambda i: (0, 0)),
          pl.BlockSpec((1, d_hid), lambda i: (0, 0)),
      ],
      out_specs=pl.BlockSpec((b, d_out), lambda i: (i, 0)),
      out_shape=jax.ShapeDtypeStruct((n, d_out), jnp.float32),
  )(acc3, h1p, deg3, w2, b1)


def _tc3(acc3, h2p, deg3, b2):
  n, d_pad = h2p.shape
  d_out = b2.shape[1]
  b = _TCB
  return pl.pallas_call(
      _tc3_body,
      grid=(n // b,),
      in_specs=[
          pl.BlockSpec((2, b, d_pad), lambda i: (0, i, 0)),
          pl.BlockSpec((b, d_pad), lambda i: (i, 0)),
          pl.BlockSpec((2, b, 16), lambda i: (0, i, 0)),
          pl.BlockSpec((1, d_out), lambda i: (0, 0)),
      ],
      out_specs=pl.BlockSpec((b, d_out), lambda i: (i, 0)),
      out_shape=jax.ShapeDtypeStruct((n, d_out), jnp.float32),
  )(acc3, h2p, deg3, b2)


def kernel(x, edge_index, W1, b1, W2, b2):
  n, _ = x.shape
  e = edge_index.shape[1]
  d_hid = W1.shape[1]
  d_out = W2.shape[1]
  ei = edge_index.astype(jnp.int32)
  src = ei[0]
  dst = ei[1]

  deg = _make_degree(n, e)(dst)
  deg3 = deg.reshape(2, _NP, 16)[:, :n]

  d_pad = 128
  w2p = jnp.concatenate(
      [W2, jnp.zeros((d_hid, d_pad - d_out), jnp.float32)], axis=1)

  h1p = _tc1(x, W1, deg3)
  acc1 = _make_agg(n, e, d_hid)(h1p, src, dst)
  h2p = _tc2(acc1.reshape(2, _NP, d_hid)[:, :n], h1p, deg3, w2p,
             b1.reshape(1, d_hid))
  acc2 = _make_agg(n, e, d_pad)(h2p, src, dst)
  return _tc3(acc2.reshape(2, _NP, d_pad)[:, :n], h2p, deg3,
              b2.reshape(1, d_out))

# --- scband reference (transcript-rebuilt; emitter-appended) ---
"""Pipeline reference for scband-mutation-gcn-12232066859616 (READ-ONLY COPY).

The authoritative reference and input builder live on the scoring server;
editing this copy changes nothing except your own understanding.
"""

import jax, jax.numpy as jnp
import numpy as np

N = 10000
E = 320000
D_IN = 128
D_HID = 128
D_OUT = 64


def setup_inputs(seed: int = 0) -> dict:
    key = jax.random.key(seed)
    k1, k2, k3, k4, k5, k6 = jax.random.split(key, 6)
    x = jax.random.normal(k1, (N, D_IN), dtype=jnp.float32)
    edge_index = jax.random.randint(k2, (2, E), 0, N)
    W1 = jax.random.normal(k3, (D_IN, D_HID), dtype=jnp.float32) * (1.0 / np.sqrt(D_IN))
    b1 = jnp.zeros((D_HID,), dtype=jnp.float32)
    W2 = jax.random.normal(k4, (D_HID, D_OUT), dtype=jnp.float32) * (1.0 / np.sqrt(D_HID))
    b2 = jnp.zeros((D_OUT,), dtype=jnp.float32)
    return {"x": x, "edge_index": edge_index, "W1": W1, "b1": b1, "W2": W2, "b2": b2}


def gcn_conv(x, edge_index, W, b):
    # GCNConv (Kipf & Welling): add self-loops, symmetric normalization,
    # linear transform, scatter-add aggregation, bias.
    num_nodes = x.shape[0]
    loop = jnp.arange(num_nodes, dtype=edge_index.dtype)
    src = jnp.concatenate([edge_index[0], loop])
    dst = jnp.concatenate([edge_index[1], loop])
    ones = jnp.ones(dst.shape[0], dtype=jnp.float32)
    deg = jnp.zeros((num_nodes,), dtype=jnp.float32).at[dst].add(ones)
    deg_inv_sqrt = jnp.where(deg > 0, jax.lax.rsqrt(jnp.maximum(deg, 1e-12)), 0.0)
    norm = deg_inv_sqrt[src] * deg_inv_sqrt[dst]
    h = x @ W
    msg = h[src] * norm[:, None]
    out = jnp.zeros((num_nodes, h.shape[1]), dtype=h.dtype).at[dst].add(msg)
    return out + b


def reference(x, edge_index, W1, b1, W2, b2):
    h = gcn_conv(x, edge_index, W1, b1)
    h = jax.nn.relu(h)
    # dropout is identity in eval mode (training=False)
    out = gcn_conv(h, edge_index, W2, b2)
    return jax.nn.log_softmax(out, axis=1)

if __name__ == "__main__":
    import jax
    _d = setup_inputs()
    print(jax.jit(kernel)(*tuple(_d.values())))

</pallas_src>

<mosaic_0001>
#map = affine_map<(d0, d1) -> (0, 0)>
#map1 = affine_map<(d0, d1) -> (0)>
module attributes {stable_mosaic.version = 14 : i64} {
  func.func @agg_kernel(%arg0: i32, %arg1: i32, %arg2: memref<10000x128xf32, #tpu.memory_space<hbm>>, %arg3: memref<320000xi32, #tpu.memory_space<hbm>>, %arg4: memref<320000xi32, #tpu.memory_space<hbm>>, %arg5: memref<20480x128xf32, #tpu.memory_space<hbm>>, %arg6: memref<128xi32, #tpu.memory_space<vmem>>, %arg7: memref<128xi32, #tpu.memory_space<vmem>>, %arg8: memref<16xi32, #tpu.memory_space<vmem>>, %arg9: memref<16xi32, #tpu.memory_space<vmem>>, %arg10: memref<128x128xf32, #tpu.memory_space<vmem>>, %arg11: memref<128x128xf32, #tpu.memory_space<vmem>>, %arg12: memref<10240x128xf32, #tpu.memory_space<vmem_shared>>, %arg13: memref<!tpu.dma_semaphore, #tpu.memory_space<semaphore_mem>>) attributes {dimension_semantics = [#tpu.dimension_semantics<core_parallel>, #tpu.dimension_semantics<subcore_parallel>], iteration_bounds = array<i64: 2, 16>, scalar_prefetch = 0 : i64, scratch_operands = 8 : i64, tpu.core_type = #tpu.core_type<sc_vector_subcore>, window_params = [{transform_indices = #map}, {transform_indices = #map1}, {transform_indices = #map1}, {transform_indices = #map}]} {
    %scan3A = arith.constant 0 : i32
    %scan3A_0 = arith.constant 0 : i32
    %scan3A_1 = arith.constant 128 : i32
    %scan3A_2 = arith.addi %scan3A_0, %scan3A_1 : i32
    %scan3A_3 = arith.constant 1 : i32
    %scan3A_4 = scf.for %scan3A_43 = %scan3A_0 to %scan3A_2 step %scan3A_3 iter_args(%scan3A_44 = %scan3A) -> (i32)  : i32 {
      %scan3A_45 = arith.constant 0 : i32
      %scan3A_46 = arith.constant 0 : i32
      %scan3A_47 = arith.constant 8 : i32
      %scan3A_48 = arith.addi %scan3A_46, %scan3A_47 : i32
      %scan3A_49 = arith.constant 1 : i32
      %scan3A_50 = scf.for %scan3A_52 = %scan3A_46 to %scan3A_48 step %scan3A_49 iter_args(%scan3A_53 = %scan3A_45) -> (i32)  : i32 {
        %broadcast_in_dim3A = arith.constant 0.000000e+00 : f32
        %broadcast_in_dim3A_54 = vector.broadcast %broadcast_in_dim3A : f32 to vector<16xf32>
        %mul3A_55 = arith.constant 16 : i32
        %mul3A_56 = arith.muli %scan3A_52, %mul3A_55 : i32
        %swap3A = arith.index_cast %scan3A_43 : i32 to index
        %swap3A_57 = arith.index_cast %mul3A_56 : i32 to index
        %swap3A_58 = tpu.vector_load %arg11[%swap3A, %swap3A_57] {strides = array<i32>} : memref<128x128xf32, #tpu.memory_space<vmem>>, vector<1x16xf32>,
        %swap3A_59 = vector.shape_cast %swap3A_58 : vector<1x16xf32> to vector<16xf32>
        %swap3A_60 = vector.shape_cast %broadcast_in_dim3A_54 : vector<16xf32> to vector<1x16xf32>
        tpu.vector_store %arg11[%swap3A, %swap3A_57], %swap3A_60 {strides = array<i32>} : memref<128x128xf32, #tpu.memory_space<vmem>>, vector<1x16xf32>,
        %scan3A_61 = arith.constant 0 : i32
        scf.yield %scan3A_61 : i32
      }
      %scan3A_51 = arith.constant 8 : i32
      scf.yield %scan3A_50 : i32
    }
    %scan3A_5 = arith.constant 128 : i32
    %scan3A_6 = arith.constant 0 : i32
    %scan3A_7 = arith.constant 0 : i32
    %scan3A_8 = arith.constant 5 : i32
    %scan3A_9 = arith.addi %scan3A_7, %scan3A_8 : i32
    %scan3A_10 = arith.constant 1 : i32
    %scan3A_11 = scf.for %scan3A_43 = %scan3A_7 to %scan3A_9 step %scan3A_10 iter_args(%scan3A_44 = %scan3A_6) -> (i32)  : i32 {
      %mul3A_45 = arith.constant 640 : i32
      %mul3A_46 = arith.muli %arg1, %mul3A_45 : i32
      %mul3A_47 = arith.constant 128 : i32
      %mul3A_48 = arith.muli %scan3A_43, %mul3A_47 : i32
      %add3A_49 = arith.addi %mul3A_46, %mul3A_48 : i32
      "tpu.region"() ({
        %run_scoped3A = tpu.sem_alloc : memref<!tpu.dma_semaphore, #tpu.memory_space<semaphore_mem>>
        %dma_start3A_51 = arith.constant 0 : i32
        %dma_start3A_52 = tpu.memref_slice %arg12[%add3A_49, %dma_start3A_51] : memref<10240x128xf32, #tpu.memory_space<vmem_shared>> -> memref<128x128xf32, #tpu.memory_space<vmem_shared>>
        %dma_start3A_53 = arith.constant 0 : i32
        %dma_start3A_54 = tpu.memref_slice %arg12[%add3A_49, %dma_start3A_53] : memref<10240x128xf32, #tpu.memory_space<vmem_shared>> -> memref<128x128xf32, #tpu.memory_space<vmem_shared>>
        tpu.enqueue_dma source(%arg11 : memref<128x128xf32, #tpu.memory_space<vmem>>) target(%dma_start3A_54 : memref<128x128xf32, #tpu.memory_space<vmem_shared>>) target_semaphore(%run_scoped3A : memref<!tpu.dma_semaphore, #tpu.memory_space<semaphore_mem>>)
        %dma_wait3A_55 = arith.constant 0 : i32
        %dma_wait3A_56 = tpu.memref_slice %arg12[%add3A_49, %dma_wait3A_55] : memref<10240x128xf32, #tpu.memory_space<vmem_shared>> -> memref<128x128xf32, #tpu.memory_space<vmem_shared>>
        %dma_wait3A_57 = arith.constant 0 : i32
        %dma_wait3A_58 = tpu.memref_slice %arg12[%add3A_49, %dma_wait3A_57] : memref<10240x128xf32, #tpu.memory_space<vmem_shared>> -> memref<128x128xf32, #tpu.memory_space<vmem_shared>>
        tpu.wait_dma2 semaphore(%run_scoped3A : memref<!tpu.dma_semaphore, #tpu.memory_space<semaphore_mem>>) src(%arg11 : memref<128x128xf32, #tpu.memory_space<vmem>>) dst(%dma_wait3A_58 : memref<128x128xf32, #tpu.memory_space<vmem_shared>>)
        tpu.yield
      }) : () -> ()
      %scan3A_50 = arith.constant 0 : i32
      scf.yield %scan3A_50 : i32
    }
    %scan3A_12 = arith.constant 5 : i32
    %barrier3A = arith.constant 0 : index
    tpu.barrier barrier_id(%barrier3A)
    %mul3A = arith.constant 16 : i32
    %mul3A_13 = arith.muli %arg0, %mul3A : i32
    %add3A = arith.addi %mul3A_13, %arg1 : i32
    %mul3A_14 = arith.constant 10000 : i32
    %mul3A_15 = arith.muli %add3A, %mul3A_14 : i32
    %scan3A_16 = arith.constant 0 : i32
    %scan3A_17 = arith.constant 0 : i32
    %scan3A_18 = arith.constant 78 : i32
    %scan3A_19 = arith.addi %scan3A_17, %scan3A_18 : i32
    %scan3A_20 = arith.constant 1 : i32
    %scan3A_21 = scf.for %scan3A_43 = %scan3A_17 to %scan3A_19 step %scan3A_20 iter_args(%scan3A_44 = %scan3A_16) -> (i32)  : i32 {
      %mul3A_45 = arith.constant 128 : i32
      %mul3A_46 = arith.muli %scan3A_43, %mul3A_45 : i32
      %add3A_47 = arith.addi %mul3A_15, %mul3A_46 : i32
      "tpu.region"() ({
        %run_scoped3A = tpu.sem_alloc : memref<!tpu.dma_semaphore, #tpu.memory_space<semaphore_mem>>
        %dma_start3A_55 = tpu.memref_slice %arg3[%add3A_47] : memref<320000xi32, #tpu.memory_space<hbm>> -> memref<128xi32, #tpu.memory_space<hbm>>
        %dma_start3A_56 = tpu.memref_slice %arg3[%add3A_47] : memref<320000xi32, #tpu.memory_space<hbm>> -> memref<128xi32, #tpu.memory_space<hbm>>
        tpu.enqueue_dma source(%dma_start3A_56 : memref<128xi32, #tpu.memory_space<hbm>>) target(%arg6 : memref<128xi32, #tpu.memory_space<vmem>>) target_semaphore(%run_scoped3A : memref<!tpu.dma_semaphore, #tpu.memory_space<semaphore_mem>>)
        %dma_wait3A_57 = tpu.memref_slice %arg3[%add3A_47] : memref<320000xi32, #tpu.memory_space<hbm>> -> memref<128xi32, #tpu.memory_space<hbm>>
        %dma_wait3A_58 = tpu.memref_slice %arg3[%add3A_47] : memref<320000xi32, #tpu.memory_space<hbm>> -> memref<128xi32, #tpu.memory_space<hbm>>
        tpu.wait_dma2 semaphore(%run_scoped3A : memref<!tpu.dma_semaphore, #tpu.memory_space<semaphore_mem>>) src(%dma_wait3A_58 : memref<128xi32, #tpu.memory_space<hbm>>) dst(%arg6 : memref<128xi32, #tpu.memory_space<vmem>>)
        tpu.yield
      }) : () -> ()
      "tpu.region"() ({
        %run_scoped3A = tpu.sem_alloc : memref<!tpu.dma_semaphore, #tpu.memory_space<semaphore_mem>>
        %dma_start3A_55 = tpu.memref_slice %arg4[%add3A_47] : memref<320000xi32, #tpu.memory_space<hbm>> -> memref<128xi32, #tpu.memory_space<hbm>>
        %dma_start3A_56 = tpu.memref_slice %arg4[%add3A_47] : memref<320000xi32, #tpu.memory_space<hbm>> -> memref<128xi32, #tpu.memory_space<hbm>>
        tpu.enqueue_dma source(%dma_start3A_56 : memref<128xi32, #tpu.memory_space<hbm>>) target(%arg7 : memref<128xi32, #tpu.memory_space<vmem>>) target_semaphore(%run_scoped3A : memref<!tpu.dma_semaphore, #tpu.memory_space<semaphore_mem>>)
        %dma_wait3A_57 = tpu.memref_slice %arg4[%add3A_47] : memref<320000xi32, #tpu.memory_space<hbm>> -> memref<128xi32, #tpu.memory_space<hbm>>
        %dma_wait3A_58 = tpu.memref_slice %arg4[%add3A_47] : memref<320000xi32, #tpu.memory_space<hbm>> -> memref<128xi32, #tpu.memory_space<hbm>>
        tpu.wait_dma2 semaphore(%run_scoped3A : memref<!tpu.dma_semaphore, #tpu.memory_space<semaphore_mem>>) src(%dma_wait3A_58 : memref<128xi32, #tpu.memory_space<hbm>>) dst(%arg7 : memref<128xi32, #tpu.memory_space<vmem>>)
        tpu.yield
      }) : () -> ()
      %dma_start3A_48 = arith.constant 0 : i32
      %dma_start3A_49 = arith.constant 0 : i32
      %dma_start3A_50 = tpu.memref_slice %arg2[%dma_start3A_48, %dma_start3A_49] : memref<10000x128xf32, #tpu.memory_space<hbm>> -> memref<10000x128xf32, #tpu.memory_space<hbm>>
      tpu.enqueue_indirect_dma source(%dma_start3A_50 : memref<10000x128xf32, #tpu.memory_space<hbm>>) target(%arg10 : memref<128x128xf32, #tpu.memory_space<vmem>>) offsets(%arg6 : memref<128xi32, #tpu.memory_space<vmem>>) semaphore(%arg13 : memref<!tpu.dma_semaphore, #tpu.memory_space<semaphore_mem>>)
      %dma_wait3A_51 = arith.constant 0 : i32
      %dma_wait3A_52 = arith.constant 0 : i32
      %dma_wait3A_53 = tpu.memref_slice %arg2[%dma_wait3A_51, %dma_wait3A_52] : memref<10000x128xf32, #tpu.memory_space<hbm>> -> memref<10000x128xf32, #tpu.memory_space<hbm>>
      tpu.wait_indirect_dma semaphore(%arg13 : memref<!tpu.dma_semaphore, #tpu.memory_space<semaphore_mem>>) src(%dma_wait3A_53 : memref<10000x128xf32, #tpu.memory_space<hbm>>) dst(%arg10 : memref<128x128xf32, #tpu.memory_space<vmem>>)
      "tpu.region"() ({
        %run_scoped3A = tpu.sem_alloc : memref<!tpu.dma_semaphore, #tpu.memory_space<semaphore_mem>>
        %dma_start3A_55 = arith.constant 0 : i32
        %dma_start3A_56 = arith.constant 0 : i32
        %dma_start3A_57 = tpu.memref_slice %arg12[%dma_start3A_55, %dma_start3A_56] : memref<10240x128xf32, #tpu.memory_space<vmem_shared>> -> memref<10240x128xf32, #tpu.memory_space<vmem_shared>>
        tpu.enqueue_indirect_dma source(%arg10 : memref<128x128xf32, #tpu.memory_space<vmem>>) target(%dma_start3A_57 : memref<10240x128xf32, #tpu.memory_space<vmem_shared>>) offsets(%arg7 : memref<128xi32, #tpu.memory_space<vmem>>) semaphore(%run_scoped3A : memref<!tpu.dma_semaphore, #tpu.memory_space<semaphore_mem>>) {add = true}
        %dma_wait3A_58 = arith.constant 0 : i32
        %dma_wait3A_59 = arith.constant 0 : i32
        %dma_wait3A_60 = tpu.memref_slice %arg12[%dma_wait3A_58, %dma_wait3A_59] : memref<10240x128xf32, #tpu.memory_space<vmem_shared>> -> memref<10240x128xf32, #tpu.memory_space<vmem_shared>>
        tpu.wait_indirect_dma semaphore(%run_scoped3A : memref<!tpu.dma_semaphore, #tpu.memory_space<semaphore_mem>>) src(%arg10 : memref<128x128xf32, #tpu.memory_space<vmem>>) dst(%dma_wait3A_60 : memref<10240x128xf32, #tpu.memory_space<vmem_shared>>)
        tpu.yield
      }) : () -> ()
      %scan3A_54 = arith.constant 0 : i32
      scf.yield %scan3A_54 : i32
    }
    %scan3A_22 = arith.constant 78 : i32
    %add3A_23 = arith.constant 9984 : i32
    %add3A_24 = arith.addi %mul3A_15, %add3A_23 : i32
    "tpu.region"() ({
      %run_scoped3A = tpu.sem_alloc : memref<!tpu.dma_semaphore, #tpu.memory_space<semaphore_mem>>
      %dma_start3A_43 = tpu.memref_slice %arg3[%add3A_24] : memref<320000xi32, #tpu.memory_space<hbm>> -> memref<16xi32, #tpu.memory_space<hbm>>
      %dma_start3A_44 = tpu.memref_slice %arg3[%add3A_24] : memref<320000xi32, #tpu.memory_space<hbm>> -> memref<16xi32, #tpu.memory_space<hbm>>
      tpu.enqueue_dma source(%dma_start3A_44 : memref<16xi32, #tpu.memory_space<hbm>>) target(%arg8 : memref<16xi32, #tpu.memory_space<vmem>>) target_semaphore(%run_scoped3A : memref<!tpu.dma_semaphore, #tpu.memory_space<semaphore_mem>>)
      %dma_wait3A_45 = tpu.memref_slice %arg3[%add3A_24] : memref<320000xi32, #tpu.memory_space<hbm>> -> memref<16xi32, #tpu.memory_space<hbm>>
      %dma_wait3A_46 = tpu.memref_slice %arg3[%add3A_24] : memref<320000xi32, #tpu.memory_space<hbm>> -> memref<16xi32, #tpu.memory_space<hbm>>
      tpu.wait_dma2 semaphore(%run_scoped3A : memref<!tpu.dma_semaphore, #tpu.memory_space<semaphore_mem>>) src(%dma_wait3A_46 : memref<16xi32, #tpu.memory_space<hbm>>) dst(%arg8 : memref<16xi32, #tpu.memory_space<vmem>>)
      tpu.yield
    }) : () -> ()
    "tpu.region"() ({
      %run_scoped3A = tpu.sem_alloc : memref<!tpu.dma_semaphore, #tpu.memory_space<semaphore_mem>>
      %dma_start3A_43 = tpu.memref_slice %arg4[%add3A_24] : memref<320000xi32, #tpu.memory_space<hbm>> -> memref<16xi32, #tpu.memory_space<hbm>>
      %dma_start3A_44 = tpu.memref_slice %arg4[%add3A_24] : memref<320000xi32, #tpu.memory_space<hbm>> -> memref<16xi32, #tpu.memory_space<hbm>>
      tpu.enqueue_dma source(%dma_start3A_44 : memref<16xi32, #tpu.memory_space<hbm>>) target(%arg9 : memref<16xi32, #tpu.memory_space<vmem>>) target_semaphore(%run_scoped3A : memref<!tpu.dma_semaphore, #tpu.memory_space<semaphore_mem>>)
      %dma_wait3A_45 = tpu.memref_slice %arg4[%add3A_24] : memref<320000xi32, #tpu.memory_space<hbm>> -> memref<16xi32, #tpu.memory_space<hbm>>
      %dma_wait3A_46 = tpu.memref_slice %arg4[%add3A_24] : memref<320000xi32, #tpu.memory_space<hbm>> -> memref<16xi32, #tpu.memory_space<hbm>>
      tpu.wait_dma2 semaphore(%run_scoped3A : memref<!tpu.dma_semaphore, #tpu.memory_space<semaphore_mem>>) src(%dma_wait3A_46 : memref<16xi32, #tpu.memory_space<hbm>>) dst(%arg9 : memref<16xi32, #tpu.memory_space<vmem>>)
      tpu.yield
    }) : () -> ()
    %dma_start3A = arith.constant 0 : i32
    %dma_start3A_25 = arith.constant 0 : i32
    %dma_start3A_26 = tpu.memref_slice %arg10[%dma_start3A, %dma_start3A_25] : memref<128x128xf32, #tpu.memory_space<vmem>> -> memref<16x128xf32, #tpu.memory_space<vmem>>
    %dma_start3A_27 = arith.constant 0 : i32
    %dma_start3A_28 = arith.constant 0 : i32
    %dma_start3A_29 = tpu.memref_slice %arg2[%dma_start3A_27, %dma_start3A_28] : memref<10000x128xf32, #tpu.memory_space<hbm>> -> memref<10000x128xf32, #tpu.memory_space<hbm>>
    tpu.enqueue_indirect_dma source(%dma_start3A_29 : memref<10000x128xf32, #tpu.memory_space<hbm>>) target(%dma_start3A_26 : memref<16x128xf32, #tpu.memory_space<vmem>>) offsets(%arg8 : memref<16xi32, #tpu.memory_space<vmem>>) semaphore(%arg13 : memref<!tpu.dma_semaphore, #tpu.memory_space<semaphore_mem>>)
    %dma_wait3A = arith.constant 0 : i32
    %dma_wait3A_30 = arith.constant 0 : i32
    %dma_wait3A_31 = tpu.memref_slice %arg10[%dma_wait3A, %dma_wait3A_30] : memref<128x128xf32, #tpu.memory_space<vmem>> -> memref<16x128xf32, #tpu.memory_space<vmem>>
    %dma_wait3A_32 = arith.constant 0 : i32
    %dma_wait3A_33 = arith.constant 0 : i32
    %dma_wait3A_34 = tpu.memref_slice %arg2[%dma_wait3A_32, %dma_wait3A_33] : memref<10000x128xf32, #tpu.memory_space<hbm>> -> memref<10000x128xf32, #tpu.memory_space<hbm>>
    tpu.wait_indirect_dma semaphore(%arg13 : memref<!tpu.dma_semaphore, #tpu.memory_space<semaphore_mem>>) src(%dma_wait3A_34 : memref<10000x128xf32, #tpu.memory_space<hbm>>) dst(%dma_wait3A_31 : memref<16x128xf32, #tpu.memory_space<vmem>>)
    "tpu.region"() ({
      %run_scoped3A = tpu.sem_alloc : memref<!tpu.dma_semaphore, #tpu.memory_space<semaphore_mem>>
      %dma_start3A_43 = arith.constant 0 : i32
      %dma_start3A_44 = arith.constant 0 : i32
      %dma_start3A_45 = tpu.memref_slice %arg10[%dma_start3A_43, %dma_start3A_44] : memref<128x128xf32, #tpu.memory_space<vmem>> -> memref<16x128xf32, #tpu.memory_space<vmem>>
      %dma_start3A_46 = arith.constant 0 : i32
      %dma_start3A_47 = arith.constant 0 : i32
      %dma_start3A_48 = tpu.memref_slice %arg12[%dma_start3A_46, %dma_start3A_47] : memref<10240x128xf32, #tpu.memory_space<vmem_shared>> -> memref<10240x128xf32, #tpu.memory_space<vmem_shared>>
      tpu.enqueue_indirect_dma source(%dma_start3A_45 : memref<16x128xf32, #tpu.memory_space<vmem>>) target(%dma_start3A_48 : memref<10240x128xf32, #tpu.memory_space<vmem_shared>>) offsets(%arg9 : memref<16xi32, #tpu.memory_space<vmem>>) semaphore(%run_scoped3A : memref<!tpu.dma_semaphore, #tpu.memory_space<semaphore_mem>>) {add = true}
      %dma_wait3A_49 = arith.constant 0 : i32
      %dma_wait3A_50 = arith.constant 0 : i32
      %dma_wait3A_51 = tpu.memref_slice %arg10[%dma_wait3A_49, %dma_wait3A_50] : memref<128x128xf32, #tpu.memory_space<vmem>> -> memref<16x128xf32, #tpu.memory_space<vmem>>
      %dma_wait3A_52 = arith.constant 0 : i32
      %dma_wait3A_53 = arith.constant 0 : i32
      %dma_wait3A_54 = tpu.memref_slice %arg12[%dma_wait3A_52, %dma_wait3A_53] : memref<10240x128xf32, #tpu.memory_space<vmem_shared>> -> memref<10240x128xf32, #tpu.memory_space<vmem_shared>>
      tpu.wait_indirect_dma semaphore(%run_scoped3A : memref<!tpu.dma_semaphore, #tpu.memory_space<semaphore_mem>>) src(%dma_wait3A_51 : memref<16x128xf32, #tpu.memory_space<vmem>>) dst(%dma_wait3A_54 : memref<10240x128xf32, #tpu.memory_space<vmem_shared>>)
      tpu.yield
    }) : () -> ()
    %barrier3A_35 = arith.constant 0 : index
    tpu.barrier barrier_id(%barrier3A_35)
    %scan3A_36 = arith.constant 0 : i32
    %scan3A_37 = arith.constant 0 : i32
    %scan3A_38 = arith.constant 5 : i32
    %scan3A_39 = arith.addi %scan3A_37, %scan3A_38 : i32
    %scan3A_40 = arith.constant 1 : i32
    %scan3A_41 = scf.for %scan3A_43 = %scan3A_37 to %scan3A_39 step %scan3A_40 iter_args(%scan3A_44 = %scan3A_36) -> (i32)  : i32 {
      %mul3A_45 = arith.constant 640 : i32
      %mul3A_46 = arith.muli %arg1, %mul3A_45 : i32
      %mul3A_47 = arith.constant 128 : i32
      %mul3A_48 = arith.muli %scan3A_43, %mul3A_47 : i32
      %add3A_49 = arith.addi %mul3A_46, %mul3A_48 : i32
      %mul3A_50 = arith.constant 10240 : i32
      %mul3A_51 = arith.muli %arg0, %mul3A_50 : i32
      %add3A_52 = arith.addi %mul3A_51, %add3A_49 : i32
      "tpu.region"() ({
        %run_scoped3A = tpu.sem_alloc : memref<!tpu.dma_semaphore, #tpu.memory_space<semaphore_mem>>
        %dma_start3A_54 = arith.constant 0 : i32
        %dma_start3A_55 = tpu.memref_slice %arg5[%add3A_52, %dma_start3A_54] : memref<20480x128xf32, #tpu.memory_space<hbm>> -> memref<128x128xf32, #tpu.memory_space<hbm>>
        %dma_start3A_56 = arith.constant 0 : i32
        %dma_start3A_57 = tpu.memref_slice %arg12[%add3A_49, %dma_start3A_56] : memref<10240x128xf32, #tpu.memory_space<vmem_shared>> -> memref<128x128xf32, #tpu.memory_space<vmem_shared>>
        tpu.enqueue_dma source(%dma_start3A_57 : memref<128x128xf32, #tpu.memory_space<vmem_shared>>) target(%dma_start3A_55 : memref<128x128xf32, #tpu.memory_space<hbm>>) target_semaphore(%run_scoped3A : memref<!tpu.dma_semaphore, #tpu.memory_space<semaphore_mem>>)
        %dma_wait3A_58 = arith.constant 0 : i32
        %dma_wait3A_59 = tpu.memref_slice %arg5[%add3A_52, %dma_wait3A_58] : memref<20480x128xf32, #tpu.memory_space<hbm>> -> memref<128x128xf32, #tpu.memory_space<hbm>>
        %dma_wait3A_60 = arith.constant 0 : i32
        %dma_wait3A_61 = tpu.memref_slice %arg12[%add3A_49, %dma_wait3A_60] : memref<10240x128xf32, #tpu.memory_space<vmem_shared>> -> memref<128x128xf32, #tpu.memory_space<vmem_shared>>
        tpu.wait_dma2 semaphore(%run_scoped3A : memref<!tpu.dma_semaphore, #tpu.memory_space<semaphore_mem>>) src(%dma_wait3A_61 : memref<128x128xf32, #tpu.memory_space<vmem_shared>>) dst(%dma_wait3A_59 : memref<128x128xf32, #tpu.memory_space<hbm>>)
        tpu.yield
      }) : () -> ()
      %scan3A_53 = arith.constant 0 : i32
      scf.yield %scan3A_53 : i32
    }
    %scan3A_42 = arith.constant 5 : i32
    return
  }
}

#map = affine_map<(d0, d1) -> (0, 0)>
#map1 = affine_map<(d0, d1) -> (0)>
module attributes {stable_mosaic.version = 14 : i64} {
  func.func @agg_kernel(%arg0: i32, %arg1: i32, %arg2: memref<10000x128xf32, #tpu.memory_space<hbm>>, %arg3: memref<320000xi32, #tpu.memory_space<hbm>>, %arg4: memref<320000xi32, #tpu.memory_space<hbm>>, %arg5: memref<20480x128xf32, #tpu.memory_space<hbm>>, %arg6: memref<128xi32, #tpu.memory_space<vmem>>, %arg7: memref<128xi32, #tpu.memory_space<vmem>>, %arg8: memref<16xi32, #tpu.memory_space<vmem>>, %arg9: memref<16xi32, #tpu.memory_space<vmem>>, %arg10: memref<128x128xf32, #tpu.memory_space<vmem>>, %arg11: memref<128x128xf32, #tpu.memory_space<vmem>>, %arg12: memref<10240x128xf32, #tpu.memory_space<vmem_shared>>, %arg13: memref<!tpu.dma_semaphore, #tpu.memory_space<semaphore_mem>>) attributes {dimension_semantics = [#tpu.dimension_semantics<core_parallel>, #tpu.dimension_semantics<subcore_parallel>], iteration_bounds = array<i64: 2, 16>, scalar_prefetch = 0 : i64, scratch_operands = 8 : i64, tpu.core_type = #tpu.core_type<sc_vector_subcore>, window_params = [{transform_indices = #map}, {transform_indices = #map1}, {transform_indices = #map1}, {transform_indices = #map}]} {
    %scan3A = arith.constant 0 : i32
    %scan3A_0 = arith.constant 0 : i32
    %scan3A_1 = arith.constant 128 : i32
    %scan3A_2 = arith.addi %scan3A_0, %scan3A_1 : i32
    %scan3A_3 = arith.constant 1 : i32
    %scan3A_4 = scf.for %scan3A_43 = %scan3A_0 to %scan3A_2 step %scan3A_3 iter_args(%scan3A_44 = %scan3A) -> (i32)  : i32 {
      %scan3A_45 = arith.constant 0 : i32
      %scan3A_46 = arith.constant 0 : i32
      %scan3A_47 = arith.constant 8 : i32
      %scan3A_48 = arith.addi %scan3A_46, %scan3A_47 : i32
      %scan3A_49 = arith.constant 1 : i32
      %scan3A_50 = scf.for %scan3A_52 = %scan3A_46 to %scan3A_48 step %scan3A_49 iter_args(%scan3A_53 = %scan3A_45) -> (i32)  : i32 {
        %broadcast_in_dim3A = arith.constant 0.000000e+00 : f32
        %broadcast_in_dim3A_54 = vector.broadcast %broadcast_in_dim3A : f32 to vector<16xf32>
        %mul3A_55 = arith.constant 16 : i32
        %mul3A_56 = arith.muli %scan3A_52, %mul3A_55 : i32
        %swap3A = arith.index_cast %scan3A_43 : i32 to index
        %swap3A_57 = arith.index_cast %mul3A_56 : i32 to index
        %swap3A_58 = tpu.vector_load %arg11[%swap3A, %swap3A_57] {strides = array<i32>} : memref<128x128xf32, #tpu.memory_space<vmem>>, vector<1x16xf32>,
        %swap3A_59 = vector.shape_cast %swap3A_58 : vector<1x16xf32> to vector<16xf32>
        %swap3A_60 = vector.shape_cast %broadcast_in_dim3A_54 : vector<16xf32> to vector<1x16xf32>
        tpu.vector_store %arg11[%swap3A, %swap3A_57], %swap3A_60 {strides = array<i32>} : memref<128x128xf32, #tpu.memory_space<vmem>>, vector<1x16xf32>,
        %scan3A_61 = arith.constant 0 : i32
        scf.yield %scan3A_61 : i32
      }
      %scan3A_51 = arith.constant 8 : i32
      scf.yield %scan3A_50 : i32
    }
    %scan3A_5 = arith.constant 128 : i32
    %scan3A_6 = arith.constant 0 : i32
    %scan3A_7 = arith.constant 0 : i32
    %scan3A_8 = arith.constant 5 : i32
    %scan3A_9 = arith.addi %scan3A_7, %scan3A_8 : i32
    %scan3A_10 = arith.constant 1 : i32
    %scan3A_11 = scf.for %scan3A_43 = %scan3A_7 to %scan3A_9 step %scan3A_10 iter_args(%scan3A_44 = %scan3A_6) -> (i32)  : i32 {
      %mul3A_45 = arith.constant 640 : i32
      %mul3A_46 = arith.muli %arg1, %mul3A_45 : i32
      %mul3A_47 = arith.constant 128 : i32
      %mul3A_48 = arith.muli %scan3A_43, %mul3A_47 : i32
      %add3A_49 = arith.addi %mul3A_46, %mul3A_48 : i32
      "tpu.region"() ({
        %run_scoped3A = tpu.sem_alloc : memref<!tpu.dma_semaphore, #tpu.memory_space<semaphore_mem>>
        %dma_start3A_51 = arith.constant 0 : i32
        %dma_start3A_52 = tpu.memref_slice %arg12[%add3A_49, %dma_start3A_51] : memref<10240x128xf32, #tpu.memory_space<vmem_shared>> -> memref<128x128xf32, #tpu.memory_space<vmem_shared>>
        %dma_start3A_53 = arith.constant 0 : i32
        %dma_start3A_54 = tpu.memref_slice %arg12[%add3A_49, %dma_start3A_53] : memref<10240x128xf32, #tpu.memory_space<vmem_shared>> -> memref<128x128xf32, #tpu.memory_space<vmem_shared>>
        tpu.enqueue_dma source(%arg11 : memref<128x128xf32, #tpu.memory_space<vmem>>) target(%dma_start3A_54 : memref<128x128xf32, #tpu.memory_space<vmem_shared>>) target_semaphore(%run_scoped3A : memref<!tpu.dma_semaphore, #tpu.memory_space<semaphore_mem>>)
        %dma_wait3A_55 = arith.constant 0 : i32
        %dma_wait3A_56 = tpu.memref_slice %arg12[%add3A_49, %dma_wait3A_55] : memref<10240x128xf32, #tpu.memory_space<vmem_shared>> -> memref<128x128xf32, #tpu.memory_space<vmem_shared>>
        %dma_wait3A_57 = arith.constant 0 : i32
        %dma_wait3A_58 = tpu.memref_slice %arg12[%add3A_49, %dma_wait3A_57] : memref<10240x128xf32, #tpu.memory_space<vmem_shared>> -> memref<128x128xf32, #tpu.memory_space<vmem_shared>>
        tpu.wait_dma2 semaphore(%run_scoped3A : memref<!tpu.dma_semaphore, #tpu.memory_space<semaphore_mem>>) src(%arg11 : memref<128x128xf32, #tpu.memory_space<vmem>>) dst(%dma_wait3A_58 : memref<128x128xf32, #tpu.memory_space<vmem_shared>>)
        tpu.yield
      }) : () -> ()
      %scan3A_50 = arith.constant 0 : i32
      scf.yield %scan3A_50 : i32
    }
    %scan3A_12 = arith.constant 5 : i32
    %barrier3A = arith.constant 0 : index
    tpu.barrier barrier_id(%barrier3A)
    %mul3A = arith.constant 16 : i32
    %mul3A_13 = arith.muli %arg0, %mul3A : i32
    %add3A = arith.addi %mul3A_13, %arg1 : i32
    %mul3A_14 = arith.constant 10000 : i32
    %mul3A_15 = arith.muli %add3A, %mul3A_14 : i32
    %scan3A_16 = arith.constant 0 : i32
    %scan3A_17 = arith.constant 0 : i32
    %scan3A_18 = arith.constant 78 : i32
    %scan3A_19 = arith.addi %scan3A_17, %scan3A_18 : i32
    %scan3A_20 = arith.constant 1 : i32
    %scan3A_21 = scf.for %scan3A_43 = %scan3A_17 to %scan3A_19 step %scan3A_20 iter_args(%scan3A_44 = %scan3A_16) -> (i32)  : i32 {
      %mul3A_45 = arith.constant 128 : i32
      %mul3A_46 = arith.muli %scan3A_43, %mul3A_45 : i32
      %add3A_47 = arith.addi %mul3A_15, %mul3A_46 : i32
      "tpu.region"() ({
        %run_scoped3A = tpu.sem_alloc : memref<!tpu.dma_semaphore, #tpu.memory_space<semaphore_mem>>
        %dma_start3A_55 = tpu.memref_slice %arg3[%add3A_47] : memref<320000xi32, #tpu.memory_space<hbm>> -> memref<128xi32, #tpu.memory_space<hbm>>
        %dma_start3A_56 = tpu.memref_slice %arg3[%add3A_47] : memref<320000xi32, #tpu.memory_space<hbm>> -> memref<128xi32, #tpu.memory_space<hbm>>
        tpu.enqueue_dma source(%dma_start3A_56 : memref<128xi32, #tpu.memory_space<hbm>>) target(%arg6 : memref<128xi32, #tpu.memory_space<vmem>>) target_semaphore(%run_scoped3A : memref<!tpu.dma_semaphore, #tpu.memory_space<semaphore_mem>>)
        %dma_wait3A_57 = tpu.memref_slice %arg3[%add3A_47] : memref<320000xi32, #tpu.memory_space<hbm>> -> memref<128xi32, #tpu.memory_space<hbm>>
        %dma_wait3A_58 = tpu.memref_slice %arg3[%add3A_47] : memref<320000xi32, #tpu.memory_space<hbm>> -> memref<128xi32, #tpu.memory_space<hbm>>
        tpu.wait_dma2 semaphore(%run_scoped3A : memref<!tpu.dma_semaphore, #tpu.memory_space<semaphore_mem>>) src(%dma_wait3A_58 : memref<128xi32, #tpu.memory_space<hbm>>) dst(%arg6 : memref<128xi32, #tpu.memory_space<vmem>>)
        tpu.yield
      }) : () -> ()
      "tpu.region"() ({
        %run_scoped3A = tpu.sem_alloc : memref<!tpu.dma_semaphore, #tpu.memory_space<semaphore_mem>>
        %dma_start3A_55 = tpu.memref_slice %arg4[%add3A_47] : memref<320000xi32, #tpu.memory_space<hbm>> -> memref<128xi32, #tpu.memory_space<hbm>>
        %dma_start3A_56 = tpu.memref_slice %arg4[%add3A_47] : memref<320000xi32, #tpu.memory_space<hbm>> -> memref<128xi32, #tpu.memory_space<hbm>>
        tpu.enqueue_dma source(%dma_start3A_56 : memref<128xi32, #tpu.memory_space<hbm>>) target(%arg7 : memref<128xi32, #tpu.memory_space<vmem>>) target_semaphore(%run_scoped3A : memref<!tpu.dma_semaphore, #tpu.memory_space<semaphore_mem>>)
        %dma_wait3A_57 = tpu.memref_slice %arg4[%add3A_47] : memref<320000xi32, #tpu.memory_space<hbm>> -> memref<128xi32, #tpu.memory_space<hbm>>
        %dma_wait3A_58 = tpu.memref_slice %arg4[%add3A_47] : memref<320000xi32, #tpu.memory_space<hbm>> -> memref<128xi32, #tpu.memory_space<hbm>>
        tpu.wait_dma2 semaphore(%run_scoped3A : memref<!tpu.dma_semaphore, #tpu.memory_space<semaphore_mem>>) src(%dma_wait3A_58 : memref<128xi32, #tpu.memory_space<hbm>>) dst(%arg7 : memref<128xi32, #tpu.memory_space<vmem>>)
        tpu.yield
      }) : () -> ()
      %dma_start3A_48 = arith.constant 0 : i32
      %dma_start3A_49 = arith.constant 0 : i32
      %dma_start3A_50 = tpu.memref_slice %arg2[%dma_start3A_48, %dma_start3A_49] : memref<10000x128xf32, #tpu.memory_space<hbm>> -> memref<10000x128xf32, #tpu.memory_space<hbm>>
      tpu.enqueue_indirect_dma source(%dma_start3A_50 : memref<10000x128xf32, #tpu.memory_space<hbm>>) target(%arg10 : memref<128x128xf32, #tpu.memory_space<vmem>>) offsets(%arg6 : memref<128xi32, #tpu.memory_space<vmem>>) semaphore(%arg13 : memref<!tpu.dma_semaphore, #tpu.memory_space<semaphore_mem>>)
      %dma_wait3A_51 = arith.constant 0 : i32
      %dma_wait3A_52 = arith.constant 0 : i32
      %dma_wait3A_53 = tpu.memref_slice %arg2[%dma_wait3A_51, %dma_wait3A_52] : memref<10000x128xf32, #tpu.memory_space<hbm>> -> memref<10000x128xf32, #tpu.memory_space<hbm>>
      tpu.wait_indirect_dma semaphore(%arg13 : memref<!tpu.dma_semaphore, #tpu.memory_space<semaphore_mem>>) src(%dma_wait3A_53 : memref<10000x128xf32, #tpu.memory_space<hbm>>) dst(%arg10 : memref<128x128xf32, #tpu.memory_space<vmem>>)
      "tpu.region"() ({
        %run_scoped3A = tpu.sem_alloc : memref<!tpu.dma_semaphore, #tpu.memory_space<semaphore_mem>>
        %dma_start3A_55 = arith.constant 0 : i32
        %dma_start3A_56 = arith.constant 0 : i32
        %dma_start3A_57 = tpu.memref_slice %arg12[%dma_start3A_55, %dma_start3A_56] : memref<10240x128xf32, #tpu.memory_space<vmem_shared>> -> memref<10240x128xf32, #tpu.memory_space<vmem_shared>>
        tpu.enqueue_indirect_dma source(%arg10 : memref<128x128xf32, #tpu.memory_space<vmem>>) target(%dma_start3A_57 : memref<10240x128xf32, #tpu.memory_space<vmem_shared>>) offsets(%arg7 : memref<128xi32, #tpu.memory_space<vmem>>) semaphore(%run_scoped3A : memref<!tpu.dma_semaphore, #tpu.memory_space<semaphore_mem>>) {add = true}
        %dma_wait3A_58 = arith.constant 0 : i32
        %dma_wait3A_59 = arith.constant 0 : i32
        %dma_wait3A_60 = tpu.memref_slice %arg12[%dma_wait3A_58, %dma_wait3A_59] : memref<10240x128xf32, #tpu.memory_space<vmem_shared>> -> memref<10240x128xf32, #tpu.memory_space<vmem_shared>>
        tpu.wait_indirect_dma semaphore(%run_scoped3A : memref<!tpu.dma_semaphore, #tpu.memory_space<semaphore_mem>>) src(%arg10 : memref<128x128xf32, #tpu.memory_space<vmem>>) dst(%dma_wait3A_60 : memref<10240x128xf32, #tpu.memory_space<vmem_shared>>)
        tpu.yield
      }) : () -> ()
      %scan3A_54 = arith.constant 0 : i32
      scf.yield %scan3A_54 : i32
    }
    %scan3A_22 = arith.constant 78 : i32
    %add3A_23 = arith.constant 9984 : i32
    %add3A_24 = arith.addi %mul3A_15, %add3A_23 : i32
    "tpu.region"() ({
      %run_scoped3A = tpu.sem_alloc : memref<!tpu.dma_semaphore, #tpu.memory_space<semaphore_mem>>
      %dma_start3A_43 = tpu.memref_slice %arg3[%add3A_24] : memref<320000xi32, #tpu.memory_space<hbm>> -> memref<16xi32, #tpu.memory_space<hbm>>
      %dma_start3A_44 = tpu.memref_slice %arg3[%add3A_24] : memref<320000xi32, #tpu.memory_space<hbm>> -> memref<16xi32, #tpu.memory_space<hbm>>
      tpu.enqueue_dma source(%dma_start3A_44 : memref<16xi32, #tpu.memory_space<hbm>>) target(%arg8 : memref<16xi32, #tpu.memory_space<vmem>>) target_semaphore(%run_scoped3A : memref<!tpu.dma_semaphore, #tpu.memory_space<semaphore_mem>>)
      %dma_wait3A_45 = tpu.memref_slice %arg3[%add3A_24] : memref<320000xi32, #tpu.memory_space<hbm>> -> memref<16xi32, #tpu.memory_space<hbm>>
      %dma_wait3A_46 = tpu.memref_slice %arg3[%add3A_24] : memref<320000xi32, #tpu.memory_space<hbm>> -> memref<16xi32, #tpu.memory_space<hbm>>
      tpu.wait_dma2 semaphore(%run_scoped3A : memref<!tpu.dma_semaphore, #tpu.memory_space<semaphore_mem>>) src(%dma_wait3A_46 : memref<16xi32, #tpu.memory_space<hbm>>) dst(%arg8 : memref<16xi32, #tpu.memory_space<vmem>>)
      tpu.yield
    }) : () -> ()
    "tpu.region"() ({
      %run_scoped3A = tpu.sem_alloc : memref<!tpu.dma_semaphore, #tpu.memory_space<semaphore_mem>>
      %dma_start3A_43 = tpu.memref_slice %arg4[%add3A_24] : memref<320000xi32, #tpu.memory_space<hbm>> -> memref<16xi32, #tpu.memory_space<hbm>>
      %dma_start3A_44 = tpu.memref_slice %arg4[%add3A_24] : memref<320000xi32, #tpu.memory_space<hbm>> -> memref<16xi32, #tpu.memory_space<hbm>>
      tpu.enqueue_dma source(%dma_start3A_44 : memref<16xi32, #tpu.memory_space<hbm>>) target(%arg9 : memref<16xi32, #tpu.memory_space<vmem>>) target_semaphore(%run_scoped3A : memref<!tpu.dma_semaphore, #tpu.memory_space<semaphore_mem>>)
      %dma_wait3A_45 = tpu.memref_slice %arg4[%add3A_24] : memref<320000xi32, #tpu.memory_space<hbm>> -> memref<16xi32, #tpu.memory_space<hbm>>
      %dma_wait3A_46 = tpu.memref_slice %arg4[%add3A_24] : memref<320000xi32, #tpu.memory_space<hbm>> -> memref<16xi32, #tpu.memory_space<hbm>>
      tpu.wait_dma2 semaphore(%run_scoped3A : memref<!tpu.dma_semaphore, #tpu.memory_space<semaphore_mem>>) src(%dma_wait3A_46 : memref<16xi32, #tpu.memory_space<hbm>>) dst(%arg9 : memref<16xi32, #tpu.memory_space<vmem>>)
      tpu.yield
    }) : () -> ()
    %dma_start3A = arith.constant 0 : i32
    %dma_start3A_25 = arith.constant 0 : i32
    %dma_start3A_26 = tpu.memref_slice %arg10[%dma_start3A, %dma_start3A_25] : memref<128x128xf32, #tpu.memory_space<vmem>> -> memref<16x128xf32, #tpu.memory_space<vmem>>
    %dma_start3A_27 = arith.constant 0 : i32
    %dma_start3A_28 = arith.constant 0 : i32
    %dma_start3A_29 = tpu.memref_slice %arg2[%dma_start3A_27, %dma_start3A_28] : memref<10000x128xf32, #tpu.memory_space<hbm>> -> memref<10000x128xf32, #tpu.memory_space<hbm>>
    tpu.enqueue_indirect_dma source(%dma_start3A_29 : memref<10000x128xf32, #tpu.memory_space<hbm>>) target(%dma_start3A_26 : memref<16x128xf32, #tpu.memory_space<vmem>>) offsets(%arg8 : memref<16xi32, #tpu.memory_space<vmem>>) semaphore(%arg13 : memref<!tpu.dma_semaphore, #tpu.memory_space<semaphore_mem>>)
    %dma_wait3A = arith.constant 0 : i32
    %dma_wait3A_30 = arith.constant 0 : i32
    %dma_wait3A_31 = tpu.memref_slice %arg10[%dma_wait3A, %dma_wait3A_30] : memref<128x128xf32, #tpu.memory_space<vmem>> -> memref<16x128xf32, #tpu.memory_space<vmem>>
    %dma_wait3A_32 = arith.constant 0 : i32
    %dma_wait3A_33 = arith.constant 0 : i32
    %dma_wait3A_34 = tpu.memref_slice %arg2[%dma_wait3A_32, %dma_wait3A_33] : memref<10000x128xf32, #tpu.memory_space<hbm>> -> memref<10000x128xf32, #tpu.memory_space<hbm>>
    tpu.wait_indirect_dma semaphore(%arg13 : memref<!tpu.dma_semaphore, #tpu.memory_space<semaphore_mem>>) src(%dma_wait3A_34 : memref<10000x128xf32, #tpu.memory_space<hbm>>) dst(%dma_wait3A_31 : memref<16x128xf32, #tpu.memory_space<vmem>>)
    "tpu.region"() ({
      %run_scoped3A = tpu.sem_alloc : memref<!tpu.dma_semaphore, #tpu.memory_space<semaphore_mem>>
      %dma_start3A_43 = arith.constant 0 : i32
      %dma_start3A_44 = arith.constant 0 : i32
      %dma_start3A_45 = tpu.memref_slice %arg10[%dma_start3A_43, %dma_start3A_44] : memref<128x128xf32, #tpu.memory_space<vmem>> -> memref<16x128xf32, #tpu.memory_space<vmem>>
      %dma_start3A_46 = arith.constant 0 : i32
      %dma_start3A_47 = arith.constant 0 : i32
      %dma_start3A_48 = tpu.memref_slice %arg12[%dma_start3A_46, %dma_start3A_47] : memref<10240x128xf32, #tpu.memory_space<vmem_shared>> -> memref<10240x128xf32, #tpu.memory_space<vmem_shared>>
      tpu.enqueue_indirect_dma source(%dma_start3A_45 : memref<16x128xf32, #tpu.memory_space<vmem>>) target(%dma_start3A_48 : memref<10240x128xf32, #tpu.memory_space<vmem_shared>>) offsets(%arg9 : memref<16xi32, #tpu.memory_space<vmem>>) semaphore(%run_scoped3A : memref<!tpu.dma_semaphore, #tpu.memory_space<semaphore_mem>>) {add = true}
      %dma_wait3A_49 = arith.constant 0 : i32
      %dma_wait3A_50 = arith.constant 0 : i32
      %dma_wait3A_51 = tpu.memref_slice %arg10[%dma_wait3A_49, %dma_wait3A_50] : memref<128x128xf32, #tpu.memory_space<vmem>> -> memref<16x128xf32, #tpu.memory_space<vmem>>
      %dma_wait3A_52 = arith.constant 0 : i32
      %dma_wait3A_53 = arith.constant 0 : i32
      %dma_wait3A_54 = tpu.memref_slice %arg12[%dma_wait3A_52, %dma_wait3A_53] : memref<10240x128xf32, #tpu.memory_space<vmem_shared>> -> memref<10240x128xf32, #tpu.memory_space<vmem_shared>>
      tpu.wait_indirect_dma semaphore(%run_scoped3A : memref<!tpu.dma_semaphore, #tpu.memory_space<semaphore_mem>>) src(%dma_wait3A_51 : memref<16x128xf32, #tpu.memory_space<vmem>>) dst(%dma_wait3A_54 : memref<10240x128xf32, #tpu.memory_space<vmem_shared>>)
      tpu.yield
    }) : () -> ()
    %barrier3A_35 = arith.constant 0 : index
    tpu.barrier barrier_id(%barrier3A_35)
    %scan3A_36 = arith.constant 0 : i32
    %scan3A_37 = arith.constant 0 : i32
    %scan3A_38 = arith.constant 5 : i32
    %scan3A_39 = arith.addi %scan3A_37, %scan3A_38 : i32
    %scan3A_40 = arith.constant 1 : i32
    %scan3A_41 = scf.for %scan3A_43 = %scan3A_37 to %scan3A_39 step %scan3A_40 iter_args(%scan3A_44 = %scan3A_36) -> (i32)  : i32 {
      %mul3A_45 = arith.constant 640 : i32
      %mul3A_46 = arith.muli %arg1, %mul3A_45 : i32
      %mul3A_47 = arith.constant 128 : i32
      %mul3A_48 = arith.muli %scan3A_43, %mul3A_47 : i32
      %add3A_49 = arith.addi %mul3A_46, %mul3A_48 : i32
      %mul3A_50 = arith.constant 10240 : i32
      %mul3A_51 = arith.muli %arg0, %mul3A_50 : i32
      %add3A_52 = arith.addi %mul3A_51, %add3A_49 : i32
      "tpu.region"() ({
        %run_scoped3A = tpu.sem_alloc : memref<!tpu.dma_semaphore, #tpu.memory_space<semaphore_mem>>
        %dma_start3A_54 = arith.constant 0 : i32
        %dma_start3A_55 = tpu.memref_slice %arg5[%add3A_52, %dma_start3A_54] : memref<20480x128xf32, #tpu.memory_space<hbm>> -> memref<128x128xf32, #tpu.memory_space<hbm>>
        %dma_start3A_56 = arith.constant 0 : i32
        %dma_start3A_57 = tpu.memref_slice %arg12[%add3A_49, %dma_start3A_56] : memref<10240x128xf32, #tpu.memory_space<vmem_shared>> -> memref<128x128xf32, #tpu.memory_space<vmem_shared>>
        tpu.enqueue_dma source(%dma_start3A_57 : memref<128x128xf32, #tpu.memory_space<vmem_shared>>) target(%dma_start3A_55 : memref<128x128xf32, #tpu.memory_space<hbm>>) target_semaphore(%run_scoped3A : memref<!tpu.dma_semaphore, #tpu.memory_space<semaphore_mem>>)
        %dma_wait3A_58 = arith.constant 0 : i32
        %dma_wait3A_59 = tpu.memref_slice %arg5[%add3A_52, %dma_wait3A_58] : memref<20480x128xf32, #tpu.memory_space<hbm>> -> memref<128x128xf32, #tpu.memory_space<hbm>>
        %dma_wait3A_60 = arith.constant 0 : i32
        %dma_wait3A_61 = tpu.memref_slice %arg12[%add3A_49, %dma_wait3A_60] : memref<10240x128xf32, #tpu.memory_space<vmem_shared>> -> memref<128x128xf32, #tpu.memory_space<vmem_shared>>
        tpu.wait_dma2 semaphore(%run_scoped3A : memref<!tpu.dma_semaphore, #tpu.memory_space<semaphore_mem>>) src(%dma_wait3A_61 : memref<128x128xf32, #tpu.memory_space<vmem_shared>>) dst(%dma_wait3A_59 : memref<128x128xf32, #tpu.memory_space<hbm>>)
        tpu.yield
      }) : () -> ()
      %scan3A_53 = arith.constant 0 : i32
      scf.yield %scan3A_53 : i32
    }
    %scan3A_42 = arith.constant 5 : i32
    return
  }
}

#map = affine_map<(d0, d1) -> (0)>
#map1 = affine_map<(d0, d1) -> (0, 0)>
module attributes {stable_mosaic.version = 14 : i64} {
  func.func @deg_kernel(%arg0: i32, %arg1: i32, %arg2: memref<320000xi32, #tpu.memory_space<hbm>>, %arg3: memref<20480x16xf32, #tpu.memory_space<hbm>>, %arg4: memref<128xi32, #tpu.memory_space<vmem>>, %arg5: memref<16xi32, #tpu.memory_space<vmem>>, %arg6: memref<128x16xf32, #tpu.memory_space<vmem>>, %arg7: memref<128x16xf32, #tpu.memory_space<vmem>>, %arg8: memref<10240x16xf32, #tpu.memory_space<vmem_shared>>) attributes {dimension_semantics = [#tpu.dimension_semantics<core_parallel>, #tpu.dimension_semantics<subcore_parallel>], iteration_bounds = array<i64: 2, 16>, scalar_prefetch = 0 : i64, scratch_operands = 5 : i64, tpu.core_type = #tpu.core_type<sc_vector_subcore>, window_params = [{transform_indices = #map}, {transform_indices = #map1}]} {
    %scan3A = arith.constant 0 : i32
    %scan3A_0 = arith.constant 0 : i32
    %scan3A_1 = arith.constant 128 : i32
    %scan3A_2 = arith.addi %scan3A_0, %scan3A_1 : i32
    %scan3A_3 = arith.constant 1 : i32
    %scan3A_4 = scf.for %scan3A_40 = %scan3A_0 to %scan3A_2 step %scan3A_3 iter_args(%scan3A_41 = %scan3A) -> (i32)  : i32 {
      %broadcast_in_dim3A = arith.constant 1.000000e+00 : f32
      %broadcast_in_dim3A_42 = vector.broadcast %broadcast_in_dim3A : f32 to vector<16xf32>
      %swap3A = arith.index_cast %scan3A_40 : i32 to index
      %swap3A_43 = arith.constant 0 : index
      %swap3A_44 = tpu.vector_load %arg6[%swap3A, %swap3A_43] {strides = array<i32>} : memref<128x16xf32, #tpu.memory_space<vmem>>, vector<1x16xf32>,
      %swap3A_45 = vector.shape_cast %swap3A_44 : vector<1x16xf32> to vector<16xf32>
      %swap3A_46 = vector.shape_cast %broadcast_in_dim3A_42 : vector<16xf32> to vector<1x16xf32>
      tpu.vector_store %arg6[%swap3A, %swap3A_43], %swap3A_46 {strides = array<i32>} : memref<128x16xf32, #tpu.memory_space<vmem>>, vector<1x16xf32>,
      %scan3A_47 = arith.constant 0 : i32
      scf.yield %scan3A_47 : i32
    }
    %scan3A_5 = arith.constant 128 : i32
    %scan3A_6 = arith.constant 0 : i32
    %scan3A_7 = arith.constant 0 : i32
    %scan3A_8 = arith.constant 128 : i32
    %scan3A_9 = arith.addi %scan3A_7, %scan3A_8 : i32
    %scan3A_10 = arith.constant 1 : i32
    %scan3A_11 = scf.for %scan3A_40 = %scan3A_7 to %scan3A_9 step %scan3A_10 iter_args(%scan3A_41 = %scan3A_6) -> (i32)  : i32 {
      %broadcast_in_dim3A = arith.constant 0.000000e+00 : f32
      %broadcast_in_dim3A_42 = vector.broadcast %broadcast_in_dim3A : f32 to vector<16xf32>
      %swap3A = arith.index_cast %scan3A_40 : i32 to index
      %swap3A_43 = arith.constant 0 : index
      %swap3A_44 = tpu.vector_load %arg7[%swap3A, %swap3A_43] {strides = array<i32>} : memref<128x16xf32, #tpu.memory_space<vmem>>, vector<1x16xf32>,
      %swap3A_45 = vector.shape_cast %swap3A_44 : vector<1x16xf32> to vector<16xf32>
      %swap3A_46 = vector.shape_cast %broadcast_in_dim3A_42 : vector<16xf32> to vector<1x16xf32>
      tpu.vector_store %arg7[%swap3A, %swap3A_43], %swap3A_46 {strides = array<i32>} : memref<128x16xf32, #tpu.memory_space<vmem>>, vector<1x16xf32>,
      %scan3A_47 = arith.constant 0 : i32
      scf.yield %scan3A_47 : i32
    }
    %scan3A_12 = arith.constant 128 : i32
    %scan3A_13 = arith.constant 0 : i32
    %scan3A_14 = arith.constant 0 : i32
    %scan3A_15 = arith.constant 5 : i32
    %scan3A_16 = arith.addi %scan3A_14, %scan3A_15 : i32
    %scan3A_17 = arith.constant 1 : i32
    %scan3A_18 = scf.for %scan3A_40 = %scan3A_14 to %scan3A_16 step %scan3A_17 iter_args(%scan3A_41 = %scan3A_13) -> (i32)  : i32 {
      %mul3A_42 = arith.constant 640 : i32
      %mul3A_43 = arith.muli %arg1, %mul3A_42 : i32
      %mul3A_44 = arith.constant 128 : i32
      %mul3A_45 = arith.muli %scan3A_40, %mul3A_44 : i32
      %add3A_46 = arith.addi %mul3A_43, %mul3A_45 : i32
      "tpu.region"() ({
        %run_scoped3A = tpu.sem_alloc : memref<!tpu.dma_semaphore, #tpu.memory_space<semaphore_mem>>
        %dma_start3A = arith.constant 0 : i32
        %dma_start3A_48 = tpu.memref_slice %arg8[%add3A_46, %dma_start3A] : memref<10240x16xf32, #tpu.memory_space<vmem_shared>> -> memref<128x16xf32, #tpu.memory_space<vmem_shared>>
        %dma_start3A_49 = arith.constant 0 : i32
        %dma_start3A_50 = tpu.memref_slice %arg8[%add3A_46, %dma_start3A_49] : memref<10240x16xf32, #tpu.memory_space<vmem_shared>> -> memref<128x16xf32, #tpu.memory_space<vmem_shared>>
        tpu.enqueue_dma source(%arg7 : memref<128x16xf32, #tpu.memory_space<vmem>>) target(%dma_start3A_50 : memref<128x16xf32, #tpu.memory_space<vmem_shared>>) target_semaphore(%run_scoped3A : memref<!tpu.dma_semaphore, #tpu.memory_space<semaphore_mem>>)
        %dma_wait3A = arith.constant 0 : i32
        %dma_wait3A_51 = tpu.memref_slice %arg8[%add3A_46, %dma_wait3A] : memref<10240x16xf32, #tpu.memory_space<vmem_shared>> -> memref<128x16xf32, #tpu.memory_space<vmem_shared>>
        %dma_wait3A_52 = arith.constant 0 : i32
        %dma_wait3A_53 = tpu.memref_slice %arg8[%add3A_46, %dma_wait3A_52] : memref<10240x16xf32, #tpu.memory_space<vmem_shared>> -> memref<128x16xf32, #tpu.memory_space<vmem_shared>>
        tpu.wait_dma2 semaphore(%run_scoped3A : memref<!tpu.dma_semaphore, #tpu.memory_space<semaphore_mem>>) src(%arg7 : memref<128x16xf32, #tpu.memory_space<vmem>>) dst(%dma_wait3A_53 : memref<128x16xf32, #tpu.memory_space<vmem_shared>>)
        tpu.yield
      }) : () -> ()
      %scan3A_47 = arith.constant 0 : i32
      scf.yield %scan3A_47 : i32
    }
    %scan3A_19 = arith.constant 5 : i32
    %barrier3A = arith.constant 0 : index
    tpu.barrier barrier_id(%barrier3A)
    %mul3A = arith.constant 16 : i32
    %mul3A_20 = arith.muli %arg0, %mul3A : i32
    %add3A = arith.addi %mul3A_20, %arg1 : i32
    %mul3A_21 = arith.constant 10000 : i32
    %mul3A_22 = arith.muli %add3A, %mul3A_21 : i32
    %scan3A_23 = arith.constant 0 : i32
    %scan3A_24 = arith.constant 0 : i32
    %scan3A_25 = arith.constant 78 : i32
    %scan3A_26 = arith.addi %scan3A_24, %scan3A_25 : i32
    %scan3A_27 = arith.constant 1 : i32
    %scan3A_28 = scf.for %scan3A_40 = %scan3A_24 to %scan3A_26 step %scan3A_27 iter_args(%scan3A_41 = %scan3A_23) -> (i32)  : i32 {
      %mul3A_42 = arith.constant 128 : i32
      %mul3A_43 = arith.muli %scan3A_40, %mul3A_42 : i32
      %add3A_44 = arith.addi %mul3A_22, %mul3A_43 : i32
      "tpu.region"() ({
        %run_scoped3A = tpu.sem_alloc : memref<!tpu.dma_semaphore, #tpu.memory_space<semaphore_mem>>
        %dma_start3A = tpu.memref_slice %arg2[%add3A_44] : memref<320000xi32, #tpu.memory_space<hbm>> -> memref<128xi32, #tpu.memory_space<hbm>>
        %dma_start3A_46 = tpu.memref_slice %arg2[%add3A_44] : memref<320000xi32, #tpu.memory_space<hbm>> -> memref<128xi32, #tpu.memory_space<hbm>>
        tpu.enqueue_dma source(%dma_start3A_46 : memref<128xi32, #tpu.memory_space<hbm>>) target(%arg4 : memref<128xi32, #tpu.memory_space<vmem>>) target_semaphore(%run_scoped3A : memref<!tpu.dma_semaphore, #tpu.memory_space<semaphore_mem>>)
        %dma_wait3A = tpu.memref_slice %arg2[%add3A_44] : memref<320000xi32, #tpu.memory_space<hbm>> -> memref<128xi32, #tpu.memory_space<hbm>>
        %dma_wait3A_47 = tpu.memref_slice %arg2[%add3A_44] : memref<320000xi32, #tpu.memory_space<hbm>> -> memref<128xi32, #tpu.memory_space<hbm>>
        tpu.wait_dma2 semaphore(%run_scoped3A : memref<!tpu.dma_semaphore, #tpu.memory_space<semaphore_mem>>) src(%dma_wait3A_47 : memref<128xi32, #tpu.memory_space<hbm>>) dst(%arg4 : memref<128xi32, #tpu.memory_space<vmem>>)
        tpu.yield
      }) : () -> ()
      "tpu.region"() ({
        %run_scoped3A = tpu.sem_alloc : memref<!tpu.dma_semaphore, #tpu.memory_space<semaphore_mem>>
        %dma_start3A = arith.constant 0 : i32
        %dma_start3A_46 = arith.constant 0 : i32
        %dma_start3A_47 = tpu.memref_slice %arg8[%dma_start3A, %dma_start3A_46] : memref<10240x16xf32, #tpu.memory_space<vmem_shared>> -> memref<10240x16xf32, #tpu.memory_space<vmem_shared>>
        tpu.enqueue_indirect_dma source(%arg6 : memref<128x16xf32, #tpu.memory_space<vmem>>) target(%dma_start3A_47 : memref<10240x16xf32, #tpu.memory_space<vmem_shared>>) offsets(%arg4 : memref<128xi32, #tpu.memory_space<vmem>>) semaphore(%run_scoped3A : memref<!tpu.dma_semaphore, #tpu.memory_space<semaphore_mem>>) {add = true}
        %dma_wait3A = arith.constant 0 : i32
        %dma_wait3A_48 = arith.constant 0 : i32
        %dma_wait3A_49 = tpu.memref_slice %arg8[%dma_wait3A, %dma_wait3A_48] : memref<10240x16xf32, #tpu.memory_space<vmem_shared>> -> memref<10240x16xf32, #tpu.memory_space<vmem_shared>>
        tpu.wait_indirect_dma semaphore(%run_scoped3A : memref<!tpu.dma_semaphore, #tpu.memory_space<semaphore_mem>>) src(%arg6 : memref<128x16xf32, #tpu.memory_space<vmem>>) dst(%dma_wait3A_49 : memref<10240x16xf32, #tpu.memory_space<vmem_shared>>)
        tpu.yield
      }) : () -> ()
      %scan3A_45 = arith.constant 0 : i32
      scf.yield %scan3A_45 : i32
    }
    %scan3A_29 = arith.constant 78 : i32
    %add3A_30 = arith.constant 9984 : i32
    %add3A_31 = arith.addi %mul3A_22, %add3A_30 : i32
    "tpu.region"() ({
      %run_scoped3A = tpu.sem_alloc : memref<!tpu.dma_semaphore, #tpu.memory_space<semaphore_mem>>
      %dma_start3A = tpu.memref_slice %arg2[%add3A_31] : memref<320000xi32, #tpu.memory_space<hbm>> -> memref<16xi32, #tpu.memory_space<hbm>>
      %dma_start3A_40 = tpu.memref_slice %arg2[%add3A_31] : memref<320000xi32, #tpu.memory_space<hbm>> -> memref<16xi32, #tpu.memory_space<hbm>>
      tpu.enqueue_dma source(%dma_start3A_40 : memref<16xi32, #tpu.memory_space<hbm>>) target(%arg5 : memref<16xi32, #tpu.memory_space<vmem>>) target_semaphore(%run_scoped3A : memref<!tpu.dma_semaphore, #tpu.memory_space<semaphore_mem>>)
      %dma_wait3A = tpu.memref_slice %arg2[%add3A_31] : memref<320000xi32, #tpu.memory_space<hbm>> -> memref<16xi32, #tpu.memory_space<hbm>>
      %dma_wait3A_41 = tpu.memref_slice %arg2[%add3A_31] : memref<320000xi32, #tpu.memory_space<hbm>> -> memref<16xi32, #tpu.memory_space<hbm>>
      tpu.wait_dma2 semaphore(%run_scoped3A : memref<!tpu.dma_semaphore, #tpu.memory_space<semaphore_mem>>) src(%dma_wait3A_41 : memref<16xi32, #tpu.memory_space<hbm>>) dst(%arg5 : memref<16xi32, #tpu.memory_space<vmem>>)
      tpu.yield
    }) : () -> ()
    "tpu.region"() ({
      %run_scoped3A = tpu.sem_alloc : memref<!tpu.dma_semaphore, #tpu.memory_space<semaphore_mem>>
      %dma_start3A = arith.constant 0 : i32
      %dma_start3A_40 = arith.constant 0 : i32
      %dma_start3A_41 = tpu.memref_slice %arg6[%dma_start3A, %dma_start3A_40] : memref<128x16xf32, #tpu.memory_space<vmem>> -> memref<16x16xf32, #tpu.memory_space<vmem>>
      %dma_start3A_42 = arith.constant 0 : i32
      %dma_start3A_43 = arith.constant 0 : i32
      %dma_start3A_44 = tpu.memref_slice %arg8[%dma_start3A_42, %dma_start3A_43] : memref<10240x16xf32, #tpu.memory_space<vmem_shared>> -> memref<10240x16xf32, #tpu.memory_space<vmem_shared>>
      tpu.enqueue_indirect_dma source(%dma_start3A_41 : memref<16x16xf32, #tpu.memory_space<vmem>>) target(%dma_start3A_44 : memref<10240x16xf32, #tpu.memory_space<vmem_shared>>) offsets(%arg5 : memref<16xi32, #tpu.memory_space<vmem>>) semaphore(%run_scoped3A : memref<!tpu.dma_semaphore, #tpu.memory_space<semaphore_mem>>) {add = true}
      %dma_wait3A = arith.constant 0 : i32
      %dma_wait3A_45 = arith.constant 0 : i32
      %dma_wait3A_46 = tpu.memref_slice %arg6[%dma_wait3A, %dma_wait3A_45] : memref<128x16xf32, #tpu.memory_space<vmem>> -> memref<16x16xf32, #tpu.memory_space<vmem>>
      %dma_wait3A_47 = arith.constant 0 : i32
      %dma_wait3A_48 = arith.constant 0 : i32
      %dma_wait3A_49 = tpu.memref_slice %arg8[%dma_wait3A_47, %dma_wait3A_48] : memref<10240x16xf32, #tpu.memory_space<vmem_shared>> -> memref<10240x16xf32, #tpu.memory_space<vmem_shared>>
      tpu.wait_indirect_dma semaphore(%run_scoped3A : memref<!tpu.dma_semaphore, #tpu.memory_space<semaphore_mem>>) src(%dma_wait3A_46 : memref<16x16xf32, #tpu.memory_space<vmem>>) dst(%dma_wait3A_49 : memref<10240x16xf32, #tpu.memory_space<vmem_shared>>)
      tpu.yield
    }) : () -> ()
    %barrier3A_32 = arith.constant 0 : index
    tpu.barrier barrier_id(%barrier3A_32)
    %scan3A_33 = arith.constant 0 : i32
    %scan3A_34 = arith.constant 0 : i32
    %scan3A_35 = arith.constant 5 : i32
    %scan3A_36 = arith.addi %scan3A_34, %scan3A_35 : i32
    %scan3A_37 = arith.constant 1 : i32
    %scan3A_38 = scf.for %scan3A_40 = %scan3A_34 to %scan3A_36 step %scan3A_37 iter_args(%scan3A_41 = %scan3A_33) -> (i32)  : i32 {
      %mul3A_42 = arith.constant 640 : i32
      %mul3A_43 = arith.muli %arg1, %mul3A_42 : i32
      %mul3A_44 = arith.constant 128 : i32
      %mul3A_45 = arith.muli %scan3A_40, %mul3A_44 : i32
      %add3A_46 = arith.addi %mul3A_43, %mul3A_45 : i32
      %mul3A_47 = arith.constant 10240 : i32
      %mul3A_48 = arith.muli %arg0, %mul3A_47 : i32
      %add3A_49 = arith.addi %mul3A_48, %add3A_46 : i32
      "tpu.region"() ({
        %run_scoped3A = tpu.sem_alloc : memref<!tpu.dma_semaphore, #tpu.memory_space<semaphore_mem>>
        %dma_start3A = arith.constant 0 : i32
        %dma_start3A_51 = tpu.memref_slice %arg3[%add3A_49, %dma_start3A] : memref<20480x16xf32, #tpu.memory_space<hbm>> -> memref<128x16xf32, #tpu.memory_space<hbm>>
        %dma_start3A_52 = arith.constant 0 : i32
        %dma_start3A_53 = tpu.memref_slice %arg8[%add3A_46, %dma_start3A_52] : memref<10240x16xf32, #tpu.memory_space<vmem_shared>> -> memref<128x16xf32, #tpu.memory_space<vmem_shared>>
        tpu.enqueue_dma source(%dma_start3A_53 : memref<128x16xf32, #tpu.memory_space<vmem_shared>>) target(%dma_start3A_51 : memref<128x16xf32, #tpu.memory_space<hbm>>) target_semaphore(%run_scoped3A : memref<!tpu.dma_semaphore, #tpu.memory_space<semaphore_mem>>)
        %dma_wait3A = arith.constant 0 : i32
        %dma_wait3A_54 = tpu.memref_slice %arg3[%add3A_49, %dma_wait3A] : memref<20480x16xf32, #tpu.memory_space<hbm>> -> memref<128x16xf32, #tpu.memory_space<hbm>>
        %dma_wait3A_55 = arith.constant 0 : i32
        %dma_wait3A_56 = tpu.memref_slice %arg8[%add3A_46, %dma_wait3A_55] : memref<10240x16xf32, #tpu.memory_space<vmem_shared>> -> memref<128x16xf32, #tpu.memory_space<vmem_shared>>
        tpu.wait_dma2 semaphore(%run_scoped3A : memref<!tpu.dma_semaphore, #tpu.memory_space<semaphore_mem>>) src(%dma_wait3A_56 : memref<128x16xf32, #tpu.memory_space<vmem_shared>>) dst(%dma_wait3A_54 : memref<128x16xf32, #tpu.memory_space<hbm>>)
        tpu.yield
      }) : () -> ()
      %scan3A_50 = arith.constant 0 : i32
      scf.yield %scan3A_50 : i32
    }
    %scan3A_39 = arith.constant 5 : i32
    return
  }
}

module attributes {stable_mosaic.version = 14 : i64} {
  func.func @_tc1_body(%arg0: i32, %arg1: memref<1000x128xf32, #tpu.memory_space<vmem>>, %arg2: memref<128x128xf32, #tpu.memory_space<vmem>>, %arg3: memref<2x1000x16xf32, #tpu.memory_space<vmem>>, %arg4: memref<1000x128xf32, #tpu.memory_space<vmem>>) attributes {dimension_semantics = [#tpu.dimension_semantics<arbitrary>], iteration_bounds = array<i64: 10>, scalar_prefetch = 0 : i64, scratch_operands = 0 : i64, tpu.core_type = #tpu.core_type<tc>, window_params = [{transform_indices = @transform_0, window_bounds = array<i64: 1000, 128>}, {pipeline_mode = #tpu.pipeline_mode<synchronous>, transform_indices = @transform_1, window_bounds = array<i64: 128, 128>}, {transform_indices = @transform_2, window_bounds = array<i64: 2, 1000, 16>}, {transform_indices = @transform_3, window_bounds = array<i64: 1000, 128>}]} {
    %get3A = arith.constant 0 : index
    %get3A_0 = arith.constant 0 : index
    %get3A_1 = arith.constant 0 : index
    %get3A_2 = vector.load %arg3[%get3A, %get3A_0, %get3A_1] : memref<2x1000x16xf32, #tpu.memory_space<vmem>>, vector<1x1000x16xf32>
    %get3A_3 = vector.shape_cast %get3A_2 : vector<1x1000x16xf32> to vector<1000x16xf32>
    %get3A_4 = arith.constant 1 : index
    %get3A_5 = arith.constant 0 : index
    %get3A_6 = arith.constant 0 : index
    %get3A_7 = vector.load %arg3[%get3A_4, %get3A_5, %get3A_6] : memref<2x1000x16xf32, #tpu.memory_space<vmem>>, vector<1x1000x16xf32>
    %get3A_8 = vector.shape_cast %get3A_7 : vector<1x1000x16xf32> to vector<1000x16xf32>
    %add3A = arith.addf %get3A_3, %get3A_8 : vector<1000x16xf32>
    %slice3A = vector.extract_strided_slice %add3A {offsets = [0, 0], sizes = [1000, 1], strides = [1, 1]} : vector<1000x16xf32> to vector<1000x1xf32>
    %add3A_9 = arith.constant 1.000000e+00 : f32
    %add3A_10 = vector.broadcast %add3A_9 : f32 to vector<1000x1xf32>
    %add3A_11 = arith.addf %slice3A, %add3A_10 : vector<1000x1xf32>
    %rsqrt3A = math.rsqrt %add3A_11 : vector<1000x1xf32>
    %get3A_12 = arith.constant 0 : index
    %get3A_13 = arith.constant 0 : index
    %get3A_14 = vector.load %arg1[%get3A_12, %get3A_13] : memref<1000x128xf32, #tpu.memory_space<vmem>>, vector<1000x128xf32>
    %get3A_15 = arith.constant 0 : index
    %get3A_16 = arith.constant 0 : index
    %get3A_17 = vector.load %arg2[%get3A_15, %get3A_16] : memref<128x128xf32, #tpu.memory_space<vmem>>, vector<128x128xf32>
    %dot_general3A = arith.constant dense<0.000000e+00> : vector<1000x128xf32>
    %dot_general3A_18 = tpu.matmul %get3A_14, %get3A_17, %dot_general3A {dimension_numbers = #tpu.dot_dimension_numbers<[1], [0], [0], [1], [0, 0, 1, 1], [], []>, transpose_lhs_hint = false} : vector<1000x128xf32>, vector<128x128xf32>, vector<1000x128xf32> -> vector<1000x128xf32>
    %mul3A = vector.broadcast %rsqrt3A : vector<1000x1xf32> to vector<1000x128xf32>
    %mul3A_19 = arith.mulf %dot_general3A_18, %mul3A : vector<1000x128xf32>
    %swap3A = arith.constant 0 : index
    %swap3A_20 = arith.constant 0 : index
    %swap3A_21 = vector.load %arg4[%swap3A, %swap3A_20] : memref<1000x128xf32, #tpu.memory_space<vmem>>, vector<1000x128xf32>
    tpu.vector_store %arg4[%swap3A, %swap3A_20], %mul3A_19 {strides = array<i32>} : memref<1000x128xf32, #tpu.memory_space<vmem>>, vector<1000x128xf32>,
    return
  }
  func.func @transform_0(%arg0: i32) -> (i32, i32) {
    %c0_i32 = arith.constant 0 : i32
    %c0_i32_0 = arith.constant 0 : i32
    return %arg0, %c0_i32 : i32, i32
  }
  func.func @transform_1(%arg0: i32) -> (i32, i32) {
    %c0_i32 = arith.constant 0 : i32
    %c0_i32_0 = arith.constant 0 : i32
    %c0_i32_1 = arith.constant 0 : i32
    return %c0_i32, %c0_i32_0 : i32, i32
  }
  func.func @transform_2(%arg0: i32) -> (i32, i32, i32) {
    %c0_i32 = arith.constant 0 : i32
    %c0_i32_0 = arith.constant 0 : i32
    %c0_i32_1 = arith.constant 0 : i32
    return %c0_i32, %arg0, %c0_i32_0 : i32, i32, i32
  }
  func.func @transform_3(%arg0: i32) -> (i32, i32) {
    %c0_i32 = arith.constant 0 : i32
    %c0_i32_0 = arith.constant 0 : i32
    return %arg0, %c0_i32 : i32, i32
  }
}

module attributes {stable_mosaic.version = 14 : i64} {
  func.func @_tc2_body(%arg0: i32, %arg1: memref<2x1000x128xf32, #tpu.memory_space<vmem>>, %arg2: memref<1000x128xf32, #tpu.memory_space<vmem>>, %arg3: memref<2x1000x16xf32, #tpu.memory_space<vmem>>, %arg4: memref<128x128xf32, #tpu.memory_space<vmem>>, %arg5: memref<1x128xf32, #tpu.memory_space<vmem>>, %arg6: memref<1000x128xf32, #tpu.memory_space<vmem>>) attributes {dimension_semantics = [#tpu.dimension_semantics<arbitrary>], iteration_bounds = array<i64: 10>, scalar_prefetch = 0 : i64, scratch_operands = 0 : i64, tpu.core_type = #tpu.core_type<tc>, window_params = [{transform_indices = @transform_0, window_bounds = array<i64: 2, 1000, 128>}, {transform_indices = @transform_1, window_bounds = array<i64: 1000, 128>}, {transform_indices = @transform_2, window_bounds = array<i64: 2, 1000, 16>}, {pipeline_mode = #tpu.pipeline_mode<synchronous>, transform_indices = @transform_3, window_bounds = array<i64: 128, 128>}, {pipeline_mode = #tpu.pipeline_mode<synchronous>, transform_indices = @transform_4, window_bounds = array<i64: 1, 128>}, {transform_indices = @transform_5, window_bounds = array<i64: 1000, 128>}]} {
    %get3A = arith.constant 0 : index
    %get3A_0 = arith.constant 0 : index
    %get3A_1 = arith.constant 0 : index
    %get3A_2 = vector.load %arg3[%get3A, %get3A_0, %get3A_1] : memref<2x1000x16xf32, #tpu.memory_space<vmem>>, vector<1x1000x16xf32>
    %get3A_3 = vector.shape_cast %get3A_2 : vector<1x1000x16xf32> to vector<1000x16xf32>
    %get3A_4 = arith.constant 1 : index
    %get3A_5 = arith.constant 0 : index
    %get3A_6 = arith.constant 0 : index
    %get3A_7 = vector.load %arg3[%get3A_4, %get3A_5, %get3A_6] : memref<2x1000x16xf32, #tpu.memory_space<vmem>>, vector<1x1000x16xf32>
    %get3A_8 = vector.shape_cast %get3A_7 : vector<1x1000x16xf32> to vector<1000x16xf32>
    %add3A = arith.addf %get3A_3, %get3A_8 : vector<1000x16xf32>
    %slice3A = vector.extract_strided_slice %add3A {offsets = [0, 0], sizes = [1000, 1], strides = [1, 1]} : vector<1000x16xf32> to vector<1000x1xf32>
    %add3A_9 = arith.constant 1.000000e+00 : f32
    %add3A_10 = vector.broadcast %add3A_9 : f32 to vector<1000x1xf32>
    %add3A_11 = arith.addf %slice3A, %add3A_10 : vector<1000x1xf32>
    %rsqrt3A = math.rsqrt %add3A_11 : vector<1000x1xf32>
    %get3A_12 = arith.constant 0 : index
    %get3A_13 = arith.constant 0 : index
    %get3A_14 = arith.constant 0 : index
    %get3A_15 = vector.load %arg1[%get3A_12, %get3A_13, %get3A_14] : memref<2x1000x128xf32, #tpu.memory_space<vmem>>, vector<1x1000x128xf32>
    %get3A_16 = vector.shape_cast %get3A_15 : vector<1x1000x128xf32> to vector<1000x128xf32>
    %get3A_17 = arith.constant 1 : index
    %get3A_18 = arith.constant 0 : index
    %get3A_19 = arith.constant 0 : index
    %get3A_20 = vector.load %arg1[%get3A_17, %get3A_18, %get3A_19] : memref<2x1000x128xf32, #tpu.memory_space<vmem>>, vector<1x1000x128xf32>
    %get3A_21 = vector.shape_cast %get3A_20 : vector<1x1000x128xf32> to vector<1000x128xf32>
    %add3A_22 = arith.addf %get3A_16, %get3A_21 : vector<1000x128xf32>
    %get3A_23 = arith.constant 0 : index
    %get3A_24 = arith.constant 0 : index
    %get3A_25 = vector.load %arg2[%get3A_23, %get3A_24] : memref<1000x128xf32, #tpu.memory_space<vmem>>, vector<1000x128xf32>
    %add3A_26 = arith.addf %add3A_22, %get3A_25 : vector<1000x128xf32>
    %mul3A = vector.broadcast %rsqrt3A : vector<1000x1xf32> to vector<1000x128xf32>
    %mul3A_27 = arith.mulf %add3A_26, %mul3A : vector<1000x128xf32>
    %get3A_28 = arith.constant 0 : index
    %get3A_29 = arith.constant 0 : index
    %get3A_30 = vector.load %arg5[%get3A_28, %get3A_29] : memref<1x128xf32, #tpu.memory_space<vmem>>, vector<1x128xf32>
    %add3A_31 = vector.broadcast %get3A_30 : vector<1x128xf32> to vector<1000x128xf32>
    %add3A_32 = arith.addf %mul3A_27, %add3A_31 : vector<1000x128xf32>
    %max3A = arith.constant 0.000000e+00 : f32
    %max3A_33 = vector.broadcast %max3A : f32 to vector<1000x128xf32>
    %max3A_34 = arith.maximumf %add3A_32, %max3A_33 : vector<1000x128xf32>
    %get3A_35 = arith.constant 0 : index
    %get3A_36 = arith.constant 0 : index
    %get3A_37 = vector.load %arg4[%get3A_35, %get3A_36] : memref<128x128xf32, #tpu.memory_space<vmem>>, vector<128x128xf32>
    %dot_general3A = arith.constant dense<0.000000e+00> : vector<1000x128xf32>
    %dot_general3A_38 = tpu.matmul %max3A_34, %get3A_37, %dot_general3A {dimension_numbers = #tpu.dot_dimension_numbers<[1], [0], [0], [1], [0, 0, 1, 1], [], []>, transpose_lhs_hint = false} : vector<1000x128xf32>, vector<128x128xf32>, vector<1000x128xf32> -> vector<1000x128xf32>
    %mul3A_39 = vector.broadcast %rsqrt3A : vector<1000x1xf32> to vector<1000x128xf32>
    %mul3A_40 = arith.mulf %dot_general3A_38, %mul3A_39 : vector<1000x128xf32>
    %swap3A = arith.constant 0 : index
    %swap3A_41 = arith.constant 0 : index
    %swap3A_42 = vector.load %arg6[%swap3A, %swap3A_41] : memref<1000x128xf32, #tpu.memory_space<vmem>>, vector<1000x128xf32>
    tpu.vector_store %arg6[%swap3A, %swap3A_41], %mul3A_40 {strides = array<i32>} : memref<1000x128xf32, #tpu.memory_space<vmem>>, vector<1000x128xf32>,
    return
  }
  func.func @transform_0(%arg0: i32) -> (i32, i32, i32) {
    %c0_i32 = arith.constant 0 : i32
    %c0_i32_0 = arith.constant 0 : i32
    %c0_i32_1 = arith.constant 0 : i32
    return %c0_i32, %arg0, %c0_i32_0 : i32, i32, i32
  }
  func.func @transform_1(%arg0: i32) -> (i32, i32) {
    %c0_i32 = arith.constant 0 : i32
    %c0_i32_0 = arith.constant 0 : i32
    return %arg0, %c0_i32 : i32, i32
  }
  func.func @transform_2(%arg0: i32) -> (i32, i32, i32) {
    %c0_i32 = arith.constant 0 : i32
    %c0_i32_0 = arith.constant 0 : i32
    %c0_i32_1 = arith.constant 0 : i32
    return %c0_i32, %arg0, %c0_i32_0 : i32, i32, i32
  }
  func.func @transform_3(%arg0: i32) -> (i32, i32) {
    %c0_i32 = arith.constant 0 : i32
    %c0_i32_0 = arith.constant 0 : i32
    %c0_i32_1 = arith.constant 0 : i32
    return %c0_i32, %c0_i32_0 : i32, i32
  }
  func.func @transform_4(%arg0: i32) -> (i32, i32) {
    %c0_i32 = arith.constant 0 : i32
    %c0_i32_0 = arith.constant 0 : i32
    %c0_i32_1 = arith.constant 0 : i32
    return %c0_i32, %c0_i32_0 : i32, i32
  }
  func.func @transform_5(%arg0: i32) -> (i32, i32) {
    %c0_i32 = arith.constant 0 : i32
    %c0_i32_0 = arith.constant 0 : i32
    return %arg0, %c0_i32 : i32, i32
  }
}

module attributes {stable_mosaic.version = 14 : i64} {
  func.func @_tc3_body(%arg0: i32, %arg1: memref<2x1000x128xf32, #tpu.memory_space<vmem>>, %arg2: memref<1000x128xf32, #tpu.memory_space<vmem>>, %arg3: memref<2x1000x16xf32, #tpu.memory_space<vmem>>, %arg4: memref<1x64xf32, #tpu.memory_space<vmem>>, %arg5: memref<1000x64xf32, #tpu.memory_space<vmem>>) attributes {dimension_semantics = [#tpu.dimension_semantics<arbitrary>], iteration_bounds = array<i64: 10>, scalar_prefetch = 0 : i64, scratch_operands = 0 : i64, tpu.core_type = #tpu.core_type<tc>, window_params = [{transform_indices = @transform_0, window_bounds = array<i64: 2, 1000, 128>}, {transform_indices = @transform_1, window_bounds = array<i64: 1000, 128>}, {transform_indices = @transform_2, window_bounds = array<i64: 2, 1000, 16>}, {pipeline_mode = #tpu.pipeline_mode<synchronous>, transform_indices = @transform_3, window_bounds = array<i64: 1, 64>}, {transform_indices = @transform_4, window_bounds = array<i64: 1000, 64>}]} {
    %get3A = arith.constant 0 : index
    %get3A_0 = arith.constant 0 : index
    %get3A_1 = arith.constant 0 : index
    %get3A_2 = vector.load %arg3[%get3A, %get3A_0, %get3A_1] : memref<2x1000x16xf32, #tpu.memory_space<vmem>>, vector<1x1000x16xf32>
    %get3A_3 = vector.shape_cast %get3A_2 : vector<1x1000x16xf32> to vector<1000x16xf32>
    %get3A_4 = arith.constant 1 : index
    %get3A_5 = arith.constant 0 : index
    %get3A_6 = arith.constant 0 : index
    %get3A_7 = vector.load %arg3[%get3A_4, %get3A_5, %get3A_6] : memref<2x1000x16xf32, #tpu.memory_space<vmem>>, vector<1x1000x16xf32>
    %get3A_8 = vector.shape_cast %get3A_7 : vector<1x1000x16xf32> to vector<1000x16xf32>
    %add3A = arith.addf %get3A_3, %get3A_8 : vector<1000x16xf32>
    %slice3A = vector.extract_strided_slice %add3A {offsets = [0, 0], sizes = [1000, 1], strides = [1, 1]} : vector<1000x16xf32> to vector<1000x1xf32>
    %add3A_9 = arith.constant 1.000000e+00 : f32
    %add3A_10 = vector.broadcast %add3A_9 : f32 to vector<1000x1xf32>
    %add3A_11 = arith.addf %slice3A, %add3A_10 : vector<1000x1xf32>
    %rsqrt3A = math.rsqrt %add3A_11 : vector<1000x1xf32>
    %get3A_12 = arith.constant 0 : index
    %get3A_13 = arith.constant 0 : index
    %get3A_14 = arith.constant 0 : index
    %get3A_15 = vector.load %arg1[%get3A_12, %get3A_13, %get3A_14] : memref<2x1000x128xf32, #tpu.memory_space<vmem>>, vector<1x1000x128xf32>
    %get3A_16 = vector.shape_cast %get3A_15 : vector<1x1000x128xf32> to vector<1000x128xf32>
    %get3A_17 = arith.constant 1 : index
    %get3A_18 = arith.constant 0 : index
    %get3A_19 = arith.constant 0 : index
    %get3A_20 = vector.load %arg1[%get3A_17, %get3A_18, %get3A_19] : memref<2x1000x128xf32, #tpu.memory_space<vmem>>, vector<1x1000x128xf32>
    %get3A_21 = vector.shape_cast %get3A_20 : vector<1x1000x128xf32> to vector<1000x128xf32>
    %add3A_22 = arith.addf %get3A_16, %get3A_21 : vector<1000x128xf32>
    %get3A_23 = arith.constant 0 : index
    %get3A_24 = arith.constant 0 : index
    %get3A_25 = vector.load %arg2[%get3A_23, %get3A_24] : memref<1000x128xf32, #tpu.memory_space<vmem>>, vector<1000x128xf32>
    %add3A_26 = arith.addf %add3A_22, %get3A_25 : vector<1000x128xf32>
    %mul3A = vector.broadcast %rsqrt3A : vector<1000x1xf32> to vector<1000x128xf32>
    %mul3A_27 = arith.mulf %add3A_26, %mul3A : vector<1000x128xf32>
    %slice3A_28 = vector.extract_strided_slice %mul3A_27 {offsets = [0, 0], sizes = [1000, 64], strides = [1, 1]} : vector<1000x128xf32> to vector<1000x64xf32>
    %get3A_29 = arith.constant 0 : index
    %get3A_30 = arith.constant 0 : index
    %get3A_31 = vector.load %arg4[%get3A_29, %get3A_30] : memref<1x64xf32, #tpu.memory_space<vmem>>, vector<1x64xf32>
    %add3A_32 = vector.broadcast %get3A_31 : vector<1x64xf32> to vector<1000x64xf32>
    %add3A_33 = arith.addf %slice3A_28, %add3A_32 : vector<1000x64xf32>
    %reduce_max3A = arith.constant dense<0xFF800000> : vector<1000xf32>
    %reduce_max3A_34 = vector.multi_reduction <maximumf>, %add3A_33, %reduce_max3A [1] : vector<1000x64xf32> to vector<1000xf32>
    %broadcast_in_dim3A = vector.shape_cast %reduce_max3A_34 : vector<1000xf32> to vector<1000x1xf32>
    %sub3A = vector.broadcast %broadcast_in_dim3A : vector<1000x1xf32> to vector<1000x64xf32>
    %sub3A_35 = arith.subf %add3A_33, %sub3A : vector<1000x64xf32>
    %exp3A = math.exp %sub3A_35 : vector<1000x64xf32>
    %reduce_sum3A = arith.constant dense<0.000000e+00> : vector<1000xf32>
    %reduce_sum3A_36 = vector.multi_reduction <add>, %exp3A, %reduce_sum3A [1] : vector<1000x64xf32> to vector<1000xf32>
    %broadcast_in_dim3A_37 = vector.shape_cast %reduce_sum3A_36 : vector<1000xf32> to vector<1000x1xf32>
    %log3A = math.log %broadcast_in_dim3A_37 : vector<1000x1xf32>
    %sub3A_38 = vector.broadcast %log3A : vector<1000x1xf32> to vector<1000x64xf32>
    %sub3A_39 = arith.subf %sub3A_35, %sub3A_38 : vector<1000x64xf32>
    %swap3A = arith.constant 0 : index
    %swap3A_40 = arith.constant 0 : index
    %swap3A_41 = vector.load %arg5[%swap3A, %swap3A_40] : memref<1000x64xf32, #tpu.memory_space<vmem>>, vector<1000x64xf32>
    tpu.vector_store %arg5[%swap3A, %swap3A_40], %sub3A_39 {strides = array<i32>} : memref<1000x64xf32, #tpu.memory_space<vmem>>, vector<1000x64xf32>,
    return
  }
  func.func @transform_0(%arg0: i32) -> (i32, i32, i32) {
    %c0_i32 = arith.constant 0 : i32
    %c0_i32_0 = arith.constant 0 : i32
    %c0_i32_1 = arith.constant 0 : i32
    return %c0_i32, %arg0, %c0_i32_0 : i32, i32, i32
  }
  func.func @transform_1(%arg0: i32) -> (i32, i32) {
    %c0_i32 = arith.constant 0 : i32
    %c0_i32_0 = arith.constant 0 : i32
    return %arg0, %c0_i32 : i32, i32
  }
  func.func @transform_2(%arg0: i32) -> (i32, i32, i32) {
    %c0_i32 = arith.constant 0 : i32
    %c0_i32_0 = arith.constant 0 : i32
    %c0_i32_1 = arith.constant 0 : i32
    return %c0_i32, %arg0, %c0_i32_0 : i32, i32, i32
  }
  func.func @transform_3(%arg0: i32) -> (i32, i32) {
    %c0_i32 = arith.constant 0 : i32
    %c0_i32_0 = arith.constant 0 : i32
    %c0_i32_1 = arith.constant 0 : i32
    return %c0_i32, %c0_i32_0 : i32, i32
  }
  func.func @transform_4(%arg0: i32) -> (i32, i32) {
    %c0_i32 = arith.constant 0 : i32
    %c0_i32_0 = arith.constant 0 : i32
    return %arg0, %c0_i32 : i32, i32
  }
}

</mosaic_0001>

<sc_bundles>
// kernel: kernel.11.cloned.1.call-start
scs
__scs_entry_jumppad:
0x0: {  	(pc) =	sbr.rel $0x88, $3  }
0x1: {  	(tag) =	ssettag $0x0;
	lr =	simm.s32 $0x1  }
0x2: {  	[smem:$0x3F9B] =	sst lr;
	_ =	strace $0xD0000000  }
0x3: {  	_ = 	snop  }
0x4: {  	_ = 	snop  }
0x5: {  	_ = 	snop  }
0x6: {  	_ = 	snop  }
0x7: {  	_ = 	snop  }
__scs_overlays_trampoline_lowered:
0x8: {  	[smem:$0x3FAA] =	sst s0  }
0x9: {  	[smem:$0x3FAB] =	sst s1  }
0xa: {  	[smem:$0x3FAC] =	sst s2  }
0xb: {  	[smem:$0x3FAD] =	sst s3  }
0xc: {  	[smem:$0x3FAE] =	sst s4  }
0xd: {  	[smem:$0x3FAF] =	sst s5  }
0xe: {  	[smem:$0x3FB0] =	sst s6  }
0xf: {  	[smem:$0x3FB1] =	sst s7  }
0x10: {  	[smem:$0x3FB2] =	sst s8  }
0x11: {  	[smem:$0x3FB3] =	sst s9;
	s0 =	simm.s32 @!p0 $0x0  }
0x12: {  	s1 =	sld [smem:$0x3F99];
	s0 =	simm.s32 @p0 $0x1  }
0x13: {  	[smem:$0x3FB4] =	sst s0;
	s0 =	simm.s32 @!p1 $0x0  }
0x14: {  	s2 =	sld [smem:$0x3F98];
	s0 =	simm.s32 @p1 $0x1  }
0x15: {  	[smem:$0x3FB5] =	sst s0;
	s0 =	simm.s32 @!p2 $0x0  }
0x16: {  	s3 =	sld [smem:$0x3FDB];
	s0 =	simm.s32 @p2 $0x1  }
0x17: {  	s4 =	simm.s32 $0x1BF5;
	[smem:$0x3FB7] =	sst s0  }
0x18: {  	s0 =	sld [smem:$0x3F9A];
	_ =	swait.ge [sflag:s4], $0x0  }
0x19: {  	s7 =	sld [smem:$0x3F9B]  }
0x1a: {  	s8 =	sadd.s32 $0xFFFFE003, lr  }
0x1b: {  	s9 =	sadd.s32 $0xFFFFFEF7, lr;
	s5 =	simm.s32 $0xFFFFFFFF;
	p2 =	slt.u32 s8, $0xFFFFF086  }
0x1c: {  	p1 =	slt.u32 s9, $0xF7A;
	s5 =	simm.s32 @!p2 $0x0  }
0x1d: {  	s5 =	simm.s32 @p1 $0x1;
	p0 =	seq.s32 s7, s2  }
0x1e: {  	s7 =	smul.u32 @!p0 $0xF7A, s2;
	p2 =	seq.s32 @!p0 s5, $0x0  }
0x1f: {  	s9 =	smul.u32 $0xF7A, s1;
	s8 =	simm.s32 @!p0 $0x1BF5;
	p2 =	por !p2, p0  }
0x20: {  	[sflag:s8] =	ssyncset.s32 @!p0 $0xFFFFF086;
	s6 =	sadd.s32 @!p0 s3, s7;
	s7 =	simm.s32 @!p0 $0x108  }
0x21: {  	s3 =	sadd.s32 s3, s9;
	s6 =	sadd.s32 @!p0 $0x88, s6;
	s7 =	simm.s32 @p2 $0x1082  }
0x22: {  	[simem:s7], [sflag:s8] =	dma.local @!p0 [hbm:s6], $0xF7A  }
0x23: {  	s9 =	sor.u32 $0xD0000000, s2;
	s6 =	simm.s32 $0x108;
	_ =	swait.ge @!p0 [sflag:s8], $0x0  }
0x24: {  	s3 =	sadd.s32 $0x88, s3;
	s6 =	simm.s32 @!p1 $0x1082;
	[sflag:s4] =	ssyncset.s32 $0xFFFFF086  }
0x25: {  	[simem:s6], [sflag:s4] =	dma.local [hbm:s3], $0xF7A  }
0x26: {  	[smem:$0x3F9B] =	sst s1;
	(tag) =	ssettag s2;
	_ =	strace s9  }
0x27: {  	s1 =	sld [smem:$0x3FAB]  }
0x28: {  	s2 =	sld [smem:$0x3FAC]  }
0x29: {  	s4 =	sld [smem:$0x3FAE]  }
0x2a: {  	p0 =	seq.s32 s5, $0x0;
	s5 =	sld [smem:$0x3FAF]  }
0x2b: {  	s6 =	sld [smem:$0x3FB0]  }
0x2c: {  	s7 =	sld [smem:$0x3FB1]  }
0x2d: {  	s3 =	simm.s32 $0x108;
	s8 =	sld [smem:$0x3FB2]  }
0x2e: {  	s3 =	simm.s32 @!p0 $0x1082;
	s9 =	sld [smem:$0x3FB3]  }
0x2f: {  	lr =	sadd.s32 s0, s3;
	s0 =	sld [smem:$0x3FAA]  }
0x30: {  	s3 =	sld [smem:$0x3FAD]  }
0x31: {  	[smem:$0x3FB6] =	sst s10  }
0x32: {  	s10 =	sld [smem:$0x3FB4];
	_ =	sdelay $0x3  }
0x33: {  	p0 =	seq.s32 s10, $0x1;
	s10 =	sld [smem:$0x3FB6];
	_ =	sdelay $0x3  }
0x34: {  	[smem:$0x3FB6] =	sst s10  }
0x35: {  	s10 =	sld [smem:$0x3FB5];
	_ =	sdelay $0x3  }
0x36: {  	p1 =	seq.s32 s10, $0x1;
	s10 =	sld [smem:$0x3FB6];
	_ =	sdelay $0x3  }
0x37: {  	[smem:$0x3FB6] =	sst s10  }
0x38: {  	s10 =	sld [smem:$0x3FB7]  }
0x39: {  	_ = 	snop;
	(pc) =	sbr.ind lr, $3  }
0x3a: {  	_ = 	snop  }
0x3b: {  	_ = 	snop  }
0x3c: {  	p2 =	seq.s32 s10, $0x1;
	s10 =	sld [smem:$0x3FB6]  }
0x3d: {  	_ =	shalt  }
0x3e: {  	_ =	shalt  }
0x3f: {  	_ =	shalt  }
0x40: {  	_ =	shalt  }
0x41: {  	_ =	shalt  }
0x42: {  	_ =	shalt  }
0x43: {  	_ =	shalt  }
0x44: {  	_ =	shalt  }
0x45: {  	_ =	shalt  }
0x46: {  	_ =	shalt  }
0x47: {  	_ =	shalt  }
0x48: {  	_ =	shalt  }
0x49: {  	_ =	shalt  }
0x4a: {  	_ =	shalt  }
0x4b: {  	_ =	shalt  }
0x4c: {  	_ =	shalt  }
0x4d: {  	_ =	shalt  }
0x4e: {  	_ =	shalt  }
0x4f: {  	_ =	shalt  }
0x50: {  	_ =	shalt  }
0x51: {  	_ =	shalt  }
0x52: {  	_ =	shalt  }
0x53: {  	_ =	shalt  }
0x54: {  	_ =	shalt  }
0x55: {  	_ =	shalt  }
0x56: {  	_ =	shalt  }
0x57: {  	_ =	shalt  }
0x58: {  	_ =	shalt  }
0x59: {  	_ =	shalt  }
0x5a: {  	_ =	shalt  }
0x5b: {  	_ =	shalt  }
0x5c: {  	_ =	shalt  }
0x5d: {  	_ =	shalt  }
0x5e: {  	_ =	shalt  }
0x5f: {  	_ =	shalt  }
0x60: {  	_ =	shalt  }
0x61: {  	_ =	shalt  }
0x62: {  	_ =	shalt  }
0x63: {  	_ =	shalt  }
0x64: {  	_ =	shalt  }
0x65: {  	_ =	shalt  }
0x66: {  	_ =	shalt  }
0x67: {  	_ =	shalt  }
0x68: {  	_ =	shalt  }
0x69: {  	_ =	shalt  }
0x6a: {  	_ =	shalt  }
0x6b: {  	_ =	shalt  }
0x6c: {  	_ =	shalt  }
0x6d: {  	_ =	shalt  }
0x6e: {  	_ =	shalt  }
0x6f: {  	_ =	shalt  }
0x70: {  	_ =	shalt  }
0x71: {  	_ =	shalt  }
0x72: {  	_ =	shalt  }
0x73: {  	_ =	shalt  }
0x74: {  	_ =	shalt  }
0x75: {  	_ =	shalt  }
0x76: {  	_ =	shalt  }
0x77: {  	_ =	shalt  }
0x78: {  	_ =	shalt  }
0x79: {  	_ =	shalt  }
0x7a: {  	_ =	shalt  }
0x7b: {  	_ =	shalt  }
0x7c: {  	_ =	shalt  }
0x7d: {  	_ =	shalt  }
0x7e: {  	_ =	shalt  }
0x7f: {  	_ =	shalt  }
0x80: {  	_ =	shalt  }
0x81: {  	_ =	shalt  }
0x82: {  	_ =	shalt  }
0x83: {  	_ =	shalt  }
0x84: {  	_ =	shalt  }
0x85: {  	_ =	shalt  }
0x86: {  	_ =	shalt  }
0x87: {  	_ =	shalt  }
.Lfunc_end0:
.L_simem_size_0:
called_computation.1_lowered:
.L_overlay_start_0:
0x88: {  	s2 =	sld [smem:$0x3FD9]  }
0x89: {  	s3 =	sld [smem:$0x3FFE];
	_ =	sdelay $0x1  }
0x8a: {  	s1 =	srdreg.scid  }
0x8b: {  	s0 =	sand.u32 $0x1, s1  }
0x8c: {  	s17 =	sshll.u32 s0, $0xA;
	s2 =	sadd.s32 s3, s2  }
0x8d: {  	s2 =	sadd.s32 s2, s17  }
0x8e: {  	[smem:$0x3FC2] =	sst s2  }
0x8f: {  	_ = 	snop  }
0x90: {  	s2 =	sld [smem:$0x3FD0];
	(tm) =	ssettm $0x1  }
0x91: {  	s18 =	sld [smem:$0x3FFB];
	_ =	sdelay $0x3  }
0x92: {  	_ =	strace s18  }
0x93: {  	s3 =	sld [smem:$0x3FFC];
	_ =	sdelay $0x3  }
0x94: {  	_ =	strace s3  }
0x95: {  	s3 =	sld [smem:$0x3FFD];
	_ =	sdelay $0x3  }
0x96: {  	_ =	strace s3  }
0x97: {  	_ =	strace $0x8FFFFFFF  }
0x98: {  	s19 =	sld [smem:$0x3FDB];
	_ =	sdelay $0x1  }
0x99: {  	s4 =	simm.s32 $_scs_section_size  }
0x9a: {  	s5 =	simm.s32 $_size__tile_overlayer_lowered;
	s6 =	simm.s32 $_tile_overlayer_lowered  }
0x9b: {  	s22 =	simm.s32 $0x1BFF;
	s21 =	sshll.u32 s6, $0x1;
	s3 =	sadd.s32 s4, s19  }
0x9c: {  	s7 =	simm.s32 $0x0;
	s20 =	sshll.u32 s5, $0x1;
	s5 =	sadd.s32 s21, s3  }
0x9d: {  	[timem:s7], [sflag:s22] =	dma.local [hbm:s5], s20  }
0x9e: {  	_ =	swait.ge [sflag:s22], s20  }
0x9f: {  	s4 =	ssub.s32 $0x0, s20;
	[sflag:s22] =	ssyncset.done $0x0  }
0xa0: {  	[sflag:s22] =	ssyncadd.s32 s4;
	_ =	sdelay $0x1  }
0xa1: {  	s23 =	simm.s32 $0x1B8B  }
0xa2: {  	_ =	swait.ge [sflag:s23], $0x1  }
0xa3: {  	[sflag:s23] =	ssyncset.done $0x0  }
0xa4: {  	s25 =	simm.s32 $0x1B8E;
	s24 =	sld [smem:$0x3FFE];
	[sflag:s23] =	ssyncadd.s32 $0xFFFFFFFF  }
0xa5: {  	s26 =	simm.s32 $execute0_lowered;
	[smem:$0x3FD2] =	sst s25  }
0xa6: {  	s5 =	sshll.u32 s26, $0x1;
	_ =	strace $0x80000049;
	[dreg:$0x1] =	wrdreg $0xFFFFFFFF  }
0xa7: {  	s28 =	simm.s32 $_size_execute0_lowered;
	s3 =	sadd.s32 s3, s5;
	[dreg:$0x0] =	wrdreg $0x0  }
0xa8: {  	s5 =	sshll.u32 s28, $0x1;
	[dreg:$0x2] =	wrdreg s3  }
0xa9: {  	[dreg:$0x3] =	wrdreg s5  }
0xaa: {  	[dreg:$0x4] =	wrdreg $0xC0  }
0xab: {  	_ =	task [dreg:s7], $0x5FFFF  }
0xac: {  	[dreg:$0x1] =	wrdreg $0xFFFFFFFF  }
0xad: {  	[dreg:$0x0] =	wrdreg $0x60  }
0xae: {  	[dreg:$0x2] =	wrdreg s24  }
0xaf: {  	[dreg:$0x3] =	wrdreg s2  }
0xb0: {  	[dreg:$0x4] =	wrdreg $0x82000  }
0xb1: {  	[dreg:$0x5] =	wrdreg $0x9  }
0xb2: {  	_ =	task.clear_ibuf [dreg:s7], $0x6FFFF;
	_ =	strace $0x90000049  }
0xb3: {  	s29 =	simm.s32 $0x9;
	_ =	strace $0x8000004B  }
0xb4: {  	_ =	swait.ge [sflag:s29], $0x1  }
0xb5: {  	[sflag:s29] =	ssyncadd.s32 $0xFFFFFFFF  }
0xb6: {  	_ =	strace $0x9000004B  }
0xb7: {  	_ =	sfence  }
0xb8: {  	s30 =	sld [smem:$0x0];
	_ =	sdelay $0x2  }
0xb9: {  	s31 =	sshll.u32 s1, $0xD;
	s1 =	sshrl.u32 s1, $0x2  }
0xba: {  	s3 =	sand.u32 $0x4000, s31;
	s1 =	sadd.s32 s1, s30  }
0xbb: {  	s0 =	sor.u32 s3, s0;
	s1 =	sshll.u32 s1, $0x11  }
0xbc: {  	s0 =	sor.u32 s1, s0  }
0xbd: {  	s0 =	sadd.s32 $0x8F2B, s0  }
0xbe: {  	[sflag:s0] =	ssyncadd.remote.s32 $0x1  }
0xbf: {  	_ =	sfence.sel $0xFFFF  }
0xc0: {  	[dreg:$0x0] =	wrdreg $0xFFFFFFFF;
	(pc) =	sbr.abs _section_cstart, $3  }
0xc1: {  	[dreg:$0x1] =	wrdreg $0xFFFFFFFF  }
0xc2: {  	_ =	task.clear_ibuf [dreg:s7], $0x2FFFF;
	_ =	strace $0x9FFFFFFF  }
0xc3: {  	(tm) =	ssettm $0x7FFFFFFF  }
tec
execute0_lowered:
.L_overlay_start_1:
0x0: {  	(tag) =	ssettag $0x1  }
0x1: {  	s1 =	rddreg [dreg:$0x0]  }
0x2: {  	s0 =	rddreg [dreg:$0x1];
	s3 =	srdreg.scid  }
0x3: {  	s2 =	rddreg [dreg:$0x2];
	s10 =	stileid.u32  }
0x4: {  	s28 =	simm.s32 $0x200;
	s29 =	simm.s32 $0x1;
	s5 =	smul.u32 $0x50000, s10  }
0x5: {  	s30 =	simm.s32 $0x100;
	s31 =	simm.s32 $0x180;
	s16 =	smul.u32 $0x280, s10  }
0x6: {  	s6 =	sand.u32 $0x1, s3;
	s3 =	simm.s32 $0x0;
	s20 =	smul.u32 $0x2710, s10  }
0x7: {  	s18 =	sadd.s32 $0x1E00, s1;
	s4 =	sshll.u32 s6, $0x4;
	s17 =	smul.u32 $0x2800, s6  }
0x8: {  	[smem:$0x7FF] =	sst s3;
	s8 =	ssub.s32 $0x2, s6;
	s6 =	smul.u32 $0x27100, s6  }
0x9: {  	s4 =	sor.u32 s10, s4;
	_ =	strace $0x8000004A;
	s9 =	sshrl.u32 s8, $0x1  }
0xa: {  	s5 =	sshrl.u32 s5, $0x2;
	s25 =	sadd.s32 $0x80, s16;
	s26 =	sadd.s32 $0x100, s16  }
0xb: {  	s7 =	smul.u32 $0x2710, s4;
	s4 =	sadd.s32 $0x59E00, s1;
	s1 =	sadd.s32 $0x81000, s1  }
0xc: {  	s9 =	ssub.s32 s8, s9;
	s21 =	sadd.s32 s17, s16;
	s5 =	sadd.s32 s5, s2  }
0xd: {  	s14 =	sshll.u32 s25, $0x7;
	s15 =	sshll.u32 s26, $0x7;
	s19 =	sadd.s32 s17, s26  }
0xe: {  	s6 =	sadd.s32 s20, s6;
	s20 =	simm.s32 $0x4200;
	s8 =	sshll.u32 s21, $0x4  }
0xf: {  	s23 =	smax.u32 s9, $0x1;
	s24 =	sadd.s32 $0x4000, s5;
	s12 =	sadd.s32 $0xC000, s5  }
0x10: {  	s13 =	sadd.s32 $0x10000, s5;
	s9 =	sadd.s32 $0x180, s16;
	s21 =	sadd.s32 $0x200, s16  }
0x11: {  	s26 =	sshrl.u32 s6, $0x3;
	s7 =	sshrl.u32 s7, $0x3;
	[dreg:$0x7] =	wrdreg s23  }
0x12: {  	s22 =	sadd.s32 s1, s8;
	[dreg:$0x8] =	wrdreg s24;
	s8 =	sshll.u32 s19, $0x4  }
0x13: {  	s10 =	sshll.u32 s9, $0x7;
	s19 =	sadd.s32 s17, s9;
	s7 =	sadd.s32 $0x4E0, s7  }
0x14: {  	[dreg:$0x6] =	wrdreg s22;
	s22 =	sadd.s32 s14, s2;
	s24 =	sadd.s32 s10, s2  }
0x15: {  	s23 =	sshll.u32 s19, $0x4;
	s19 =	sadd.s32 s26, s0;
	s11 =	sadd.s32 s0, s7  }
0x16: {  	s7 =	sadd.s32 s18, s7;
	s16 =	sadd.s32 s1, s23;
	s18 =	sadd.s32 s26, s18  }
0x17: {  	s22 =	sshrl.u32 s22, $0x3;
	s24 =	sshrl.u32 s24, $0x3;
	[dreg:$0x4] =	wrdreg s11  }
0x18: {  	s26 =	simm.s32 $0x80;
	s0 =	simm.s32 $0x10;
	[dreg:$0x5] =	wrdreg s7  }
0x19: {  	s11 =	sadd.s32 $0x8000, s5;
	s7 =	sadd.s32 s17, s25;
	s17 =	sadd.s32 s17, s21  }
0x1a: {  	s25 =	sshll.u32 s21, $0x7;
	s21 =	simm.s32 $0x2;
	s7 =	sshll.u32 s7, $0x4  }
0x1b: {  	s17 =	sshll.u32 s17, $0x4;
	s25 =	sadd.s32 s25, s2;
	s14 =	sadd.s32 s1, s7  }
0x1c: {  	s7 =	sadd.s32 s15, s2;
	s15 =	sadd.s32 s1, s8;
	s17 =	sadd.s32 s1, s17  }
0x1d: {  	v0 =	vimm.f32 $0.0e+00;
	s25 =	sshrl.u32 s25, $0x3;
	s1 =	simm.s32 $0x0;
	s23 =	sshrl.u32 s7, $0x3  }
.LBB2_1:
0x1e: {  	s6 =	simm.s32 $0x0;
	s7 =	simm.s32 $0x200  }
.LBB2_2:
0x1f: {  	p0 =	sne.s32 s7, $0xFE00;
	[tilespmem:s6+$0x4270] =	vst v0  }
0x20: {  	[tilespmem:s6+$0x4200] =	vst v0  }
0x21: {  	[tilespmem:s6+$0x4210] =	vst v0  }
.Ltmp0:
0x22: {  	[tilespmem:s6+$0x4220] =	vst v0;
	(pc) =	sbr.rel @p0 .LBB2_2-.Ltmp0, $4  }
0x23: {  	[tilespmem:s6+$0x4230] =	vst v0  }
0x24: {  	[tilespmem:s6+$0x4240] =	vst v0  }
0x25: {  	[tilespmem:s6+$0x4250] =	vst v0  }
0x26: {  	[tilespmem:s6+$0x4260] =	vst v0;
	s6 =	sshra.s32 s7, $0x2;
	s7 =	sadd.s32 $0x200, s7  }
0x27: {  	[tilespmem:s6+$0x4270] =	vst v0  }
0x28: {  	[tilespmem:s6+$0x4200] =	vst v0  }
0x29: {  	[tilespmem:s6+$0x4210] =	vst v0  }
0x2a: {  	[tilespmem:s6+$0x4220] =	vst v0  }
0x2b: {  	[tilespmem:s6+$0x4230] =	vst v0  }
0x2c: {  	[tilespmem:s6+$0x4240] =	vst v0  }
0x2d: {  	[tilespmem:s6+$0x4250] =	vst v0  }
0x2e: {  	[tilespmem:s6+$0x4260] =	vst v0  }
0x2f: {  	[spmem:s5] =	stream.linear.scatter [tilespmem:s20], [sflag:$0x2], $0x4000, $0x38;
	[tilespmem:$0x1C200] =	vst v63  }
0x30: {  	_ =	swait.ge [sflag:s21], $0x4000  }
0x31: {  	[sflag:s21] =	ssyncset.done $0x0  }
0x32: {  	s8 =	rddreg [dreg:$0x8];
	[sflag:s21] =	ssyncadd.s32 $0xFFFFC000  }
0x33: {  	[spmem:s8] =	stream.linear.scatter [tilespmem:s20], [sflag:$0x2], $0x4000, $0x38;
	[tilespmem:$0x1C200] =	vst v63  }
0x34: {  	_ =	swait.ge [sflag:s21], $0x4000  }
0x35: {  	[sflag:s21] =	ssyncset.done $0x0  }
0x36: {  	[sflag:s21] =	ssyncadd.s32 $0xFFFFC000  }
0x37: {  	[spmem:s11] =	stream.linear.scatter [tilespmem:s20], [sflag:$0x2], $0x4000, $0x38;
	[tilespmem:$0x1C200] =	vst v63  }
0x38: {  	_ =	swait.ge [sflag:s21], $0x4000  }
0x39: {  	[sflag:s21] =	ssyncset.done $0x0  }
0x3a: {  	[sflag:s21] =	ssyncadd.s32 $0xFFFFC000  }
0x3b: {  	[spmem:s12] =	stream.linear.scatter [tilespmem:s20], [sflag:$0x2], $0x4000, $0x38;
	[tilespmem:$0x1C200] =	vst v63  }
0x3c: {  	_ =	swait.ge [sflag:s21], $0x4000  }
0x3d: {  	[sflag:s21] =	ssyncset.done $0x0  }
0x3e: {  	[sflag:s21] =	ssyncadd.s32 $0xFFFFC000  }
0x3f: {  	[spmem:s13] =	stream.linear.scatter [tilespmem:s20], [sflag:$0x2], $0x4000, $0x38;
	[tilespmem:$0x1C200] =	vst v63  }
0x40: {  	_ =	swait.ge [sflag:s21], $0x4000  }
0x41: {  	[sflag:s21] =	ssyncset.done $0x0  }
0x42: {  	[sflag:s21] =	ssyncadd.s32 $0xFFFFC000  }
0x43: {  	s9 =	sadd.s32 $0x0, s19;
	[bflag:$0x0] =	sbarrier.arrive $0xFFFF  }
0x44: {  	[tilespmem:s3], [sflag:$0x2] =	stream.linear.gather [hbm4b:s9+s3], $0x80, $0x38;
	[tilespmem:$0x1C200] =	vst v63  }
0x45: {  	_ =	swait.ge [sflag:s21], $0x80  }
0x46: {  	[sflag:s21] =	ssyncset.done $0x0  }
0x47: {  	s10 =	sadd.s32 $0x0, s18;
	[sflag:s21] =	ssyncadd.s32 $0xFFFFFF80  }
0x48: {  	[tilespmem:s26], [sflag:$0x2] =	stream.linear.gather [hbm4b:s10+s3], $0x80, $0x38;
	[tilespmem:$0x1C200] =	vst v63  }
0x49: {  	_ =	swait.ge [sflag:s21], $0x80  }
0x4a: {  	[sflag:s21] =	ssyncset.done $0x0  }
0x4b: {  	[sflag:s21] =	ssyncadd.s32 $0xFFFFFF80  }
0x4c: {  	[tilespmem:s28], [sflag:$0x1] =	stream.indirect.gather [hbm4b:s4+s26], $0x80, s3, s26, $0xb8;
	[tilespmem:$0x1C200] =	vst v63  }
0x4d: {  	_ =	swait.ge [sflag:s29], $0x4000  }
0x4e: {  	[sflag:s29] =	ssyncset.done $0x0  }
0x4f: {  	[sflag:s29] =	ssyncadd.s32 $0xFFFFC000  }
0x50: {  	[spmem:s2] =	stream.indirect.scatter.add.f32 [tilespmem:s28], [sflag:$0x2], $0x80, s26, s26, $0xb8;
	[tilespmem:$0x1C200] =	vst v63  }
0x51: {  	_ =	swait.ge [sflag:s21], $0x4000  }
0x52: {  	s6 =	simm.s32 $0x10;
	s7 =	simm.s32 $0x20;
	[sflag:s21] =	ssyncset.done $0x0  }
.LBB2_4:
0x53: {  	s8 =	sadd.s32 s6, s19  }
0x54: {  	[sflag:s21] =	ssyncadd.s32 $0xFFFFC000;
	s9 =	smov.u32 s7;
	s10 =	sadd.s32 $0x10, s7  }
0x55: {  	[tilespmem:s3], [sflag:$0x2] =	stream.linear.gather [hbm4b:s8+s3], $0x80, $0x38;
	[tilespmem:$0x1C200] =	vst v63  }
0x56: {  	p0 =	sne.s32 s7, $0x4D0;
	_ =	swait.ge [sflag:s21], $0x80  }
0x57: {  	[sflag:s21] =	ssyncset.done $0x0  }
0x58: {  	s7 =	sadd.s32 s6, s18;
	s6 =	smov.u32 s9;
	[sflag:s21] =	ssyncadd.s32 $0xFFFFFF80  }
0x59: {  	[tilespmem:s26], [sflag:$0x2] =	stream.linear.gather [hbm4b:s7+s3], $0x80, $0x38;
	[tilespmem:$0x1C200] =	vst v63  }
0x5a: {  	_ =	swait.ge [sflag:s21], $0x80  }
0x5b: {  	[sflag:s21] =	ssyncset.done $0x0  }
0x5c: {  	[sflag:s21] =	ssyncadd.s32 $0xFFFFFF80  }
0x5d: {  	[tilespmem:s28], [sflag:$0x1] =	stream.indirect.gather [hbm4b:s4+s26], $0x80, s3, s26, $0xb8;
	[tilespmem:$0x1C200] =	vst v63  }
0x5e: {  	_ =	swait.ge [sflag:s29], $0x4000  }
.Ltmp1:
0x5f: {  	[sflag:s29] =	ssyncset.done $0x0;
	(pc) =	sbr.rel @p0 .LBB2_4-.Ltmp1, $4  }
0x60: {  	[sflag:s29] =	ssyncadd.s32 $0xFFFFC000  }
0x61: {  	[spmem:s2] =	stream.indirect.scatter.add.f32 [tilespmem:s28], [sflag:$0x2], $0x80, s26, s26, $0xb8;
	[tilespmem:$0x1C200] =	vst v63  }
0x62: {  	_ =	swait.ge [sflag:s21], $0x4000  }
0x63: {  	s7 =	smov.u32 s10;
	[sflag:s21] =	ssyncset.done $0x0  }
0x64: {  	s7 =	sadd.s32 s6, s19;
	[sflag:s21] =	ssyncadd.s32 $0xFFFFC000  }
0x65: {  	[tilespmem:s3], [sflag:$0x2] =	stream.linear.gather [hbm4b:s7+s3], $0x80, $0x38;
	[tilespmem:$0x1C200] =	vst v63  }
0x66: {  	_ =	swait.ge [sflag:s21], $0x80  }
0x67: {  	[sflag:s21] =	ssyncset.done $0x0  }
0x68: {  	s9 =	sadd.s32 s6, s18;
	[sflag:s21] =	ssyncadd.s32 $0xFFFFFF80  }
0x69: {  	[tilespmem:s26], [sflag:$0x2] =	stream.linear.gather [hbm4b:s9+s3], $0x80, $0x38;
	[tilespmem:$0x1C200] =	vst v63  }
0x6a: {  	_ =	swait.ge [sflag:s21], $0x80  }
0x6b: {  	[sflag:s21] =	ssyncset.done $0x0  }
0x6c: {  	[sflag:s21] =	ssyncadd.s32 $0xFFFFFF80  }
0x6d: {  	[tilespmem:s28], [sflag:$0x1] =	stream.indirect.gather [hbm4b:s4+s26], $0x80, s3, s26, $0xb8;
	[tilespmem:$0x1C200] =	vst v63  }
0x6e: {  	_ =	swait.ge [sflag:s29], $0x4000  }
0x6f: {  	[sflag:s29] =	ssyncset.done $0x0  }
0x70: {  	[sflag:s29] =	ssyncadd.s32 $0xFFFFC000  }
0x71: {  	[spmem:s2] =	stream.indirect.scatter.add.f32 [tilespmem:s28], [sflag:$0x2], $0x80, s26, s26, $0xb8;
	[tilespmem:$0x1C200] =	vst v63  }
0x72: {  	_ =	swait.ge [sflag:s21], $0x4000  }
0x73: {  	[sflag:s21] =	ssyncset.done $0x0  }
0x74: {  	s10 =	rddreg [dreg:$0x4];
	[sflag:s21] =	ssyncadd.s32 $0xFFFFC000  }
0x75: {  	[tilespmem:s30], [sflag:$0x2] =	stream.linear.gather [hbm4b:s10+s3], $0x10, $0x38;
	[tilespmem:$0x1C200] =	vst v63  }
0x76: {  	_ =	swait.ge [sflag:s21], $0x10  }
0x77: {  	[sflag:s21] =	ssyncset.done $0x0  }
0x78: {  	s7 =	rddreg [dreg:$0x5];
	[sflag:s21] =	ssyncadd.s32 $0xFFFFFFF0  }
0x79: {  	[tilespmem:s31], [sflag:$0x2] =	stream.linear.gather [hbm4b:s7+s3], $0x10, $0x38;
	[tilespmem:$0x1C200] =	vst v63  }
0x7a: {  	_ =	swait.ge [sflag:s21], $0x10  }
0x7b: {  	[sflag:s21] =	ssyncset.done $0x0  }
0x7c: {  	[sflag:s21] =	ssyncadd.s32 $0xFFFFFFF0  }
0x7d: {  	[tilespmem:s28], [sflag:$0x1] =	stream.indirect.gather [hbm4b:s4+s0], $0x80, s30, s0, $0xb8;
	[tilespmem:$0x1C200] =	vst v63  }
0x7e: {  	_ =	swait.ge [sflag:s29], $0x800  }
0x7f: {  	[sflag:s29] =	ssyncset.done $0x0  }
0x80: {  	[sflag:s29] =	ssyncadd.s32 $0xFFFFF800  }
0x81: {  	[spmem:s2] =	stream.indirect.scatter.add.f32 [tilespmem:s28], [sflag:$0x2], $0x80, s31, s0, $0xb8;
	[tilespmem:$0x1C200] =	vst v63  }
0x82: {  	_ =	swait.ge [sflag:s21], $0x800  }
0x83: {  	[sflag:s21] =	ssyncset.done $0x0  }
0x84: {  	s8 =	stileid.u32;
	[sflag:s21] =	ssyncadd.s32 $0xFFFFF800  }
0x85: {  	s6 =	sshll.u32 s8, $0x6;
	[bflag:$0x0] =	sbarrier.arrive $0xFFFF  }
0x86: {  	s6 =	sor.u32 $0x1C02, s6;
	s9 =	sshrl.u32 s5, $0x3;
	s8 =	rddreg [dreg:$0x6]  }
0x87: {  	[hbm:s8], [sflag:s6] =	dma.local [spmem:s9], $0x800  }
0x88: {  	_ =	swait.ge [sflag:s21], $0x800  }
0x89: {  	[sflag:s21] =	ssyncset.done $0x0  }
0x8a: {  	[sflag:s21] =	ssyncadd.s32 $0xFFFFF800  }
0x8b: {  	[hbm:s14], [sflag:s6] =	dma.local [spmem:s22], $0x800  }
0x8c: {  	_ =	swait.ge [sflag:s21], $0x800  }
0x8d: {  	[sflag:s21] =	ssyncset.done $0x0  }
0x8e: {  	[sflag:s21] =	ssyncadd.s32 $0xFFFFF800  }
0x8f: {  	[hbm:s15], [sflag:s6] =	dma.local [spmem:s23], $0x800  }
0x90: {  	_ =	swait.ge [sflag:s21], $0x800  }
0x91: {  	[sflag:s21] =	ssyncset.done $0x0  }
0x92: {  	[sflag:s21] =	ssyncadd.s32 $0xFFFFF800  }
0x93: {  	[hbm:s16], [sflag:s6] =	dma.local [spmem:s24], $0x800  }
0x94: {  	_ =	swait.ge [sflag:s21], $0x800  }
0x95: {  	[sflag:s21] =	ssyncset.done $0x0  }
0x96: {  	[sflag:s21] =	ssyncadd.s32 $0xFFFFF800  }
0x97: {  	[hbm:s17], [sflag:s6] =	dma.local [spmem:s25], $0x800  }
0x98: {  	_ =	swait.ge [sflag:s21], $0x800  }
0x99: {  	s1 =	sadd.s32 $0x1, s1;
	s10 =	rddreg [dreg:$0x7]  }
0x9a: {  	p0 =	sne.s32 s1, s10  }
.Ltmp2:
0x9b: {  	_ = 	snop;
	(pc) =	sbr.rel @p0 .LBB2_1-.Ltmp2, $3  }
0x9c: {  	_ =	sdelay $0x1  }
0x9d: {  	[sflag:s21] =	ssyncset.done $0x0  }
0x9e: {  	[sflag:s21] =	ssyncadd.s32 $0xFFFFF800  }
0x9f: {  	_ =	sfence.sel $0x180000  }
0xa0: {  	[bflag:$0x0] =	sbarrier.arrive $0xFFFF  }
0xa1: {  	_ =	strace $0x9000004A  }
0xa2: {  	s0 =	stileid.u32;
	[bflag:$0x2] =	sbarrier.arrive $0xFFFF  }
0xa3: {  	p0 =	sne.s32 s0, $0x0;
	s0 =	rddreg [dreg:$0x3]  }
0xa4: {  	s0 =	sadd.s32 @!p0 $0x100000, s0  }
0xa5: {  	[sflag:s0] =	ssyncadd.tile.s32 @!p0 $0x1;
	_ =	shalt  }
.Lfunc_end2:
_tile_overlayer_lowered:
.L_overlay_start_2:
0xa6: {  	(tag) =	ssettag $0x2  }
0xa7: {  	s0 =	rddreg [dreg:$0x0];
	s2 =	stileid.u32  }
0xa8: {  	s1 =	rddreg [dreg:$0x1];
	p0 =	sne.s32 s2, $0x0  }
0xa9: {  	s3 =	rddreg [dreg:$0x2];
	[bflag:$0x3] =	sbarrier.arrive $0xFFFF;
	s2 =	simm.s32 @!p0 $0x1C02  }
0xaa: {  	[timem:s3], [sflag:s2] =	dma.local @!p0 [hbm:s0], s1  }
0xab: {  	s0 =	simm.s32 @!p0 $0x2  }
0xac: {  	_ =	swait.ge @!p0 [sflag:s0], s1  }
0xad: {  	s1 =	ssub.s32 @!p0 $0x0, s1;
	[sflag:s0] =	ssyncset.done @!p0 $0x0  }
0xae: {  	[sflag:s0] =	ssyncadd.s32 @!p0 s1  }
0xaf: {  	[bflag:$0x3] =	sbarrier.arrive $0xFFFF  }
0xb0: {  	_ =	shalt  }

// kernel: kernel.14.cloned.1.call-start
scs
__scs_entry_jumppad:
0x0: {  	(pc) =	sbr.rel $0x88, $3  }
0x1: {  	(tag) =	ssettag $0x0;
	lr =	simm.s32 $0x1  }
0x2: {  	[smem:$0x3F9B] =	sst lr;
	_ =	strace $0xD0000000  }
0x3: {  	_ = 	snop  }
0x4: {  	_ = 	snop  }
0x5: {  	_ = 	snop  }
0x6: {  	_ = 	snop  }
0x7: {  	_ = 	snop  }
__scs_overlays_trampoline_lowered:
0x8: {  	[smem:$0x3FAA] =	sst s0  }
0x9: {  	[smem:$0x3FAB] =	sst s1  }
0xa: {  	[smem:$0x3FAC] =	sst s2  }
0xb: {  	[smem:$0x3FAD] =	sst s3  }
0xc: {  	[smem:$0x3FAE] =	sst s4  }
0xd: {  	[smem:$0x3FAF] =	sst s5  }
0xe: {  	[smem:$0x3FB0] =	sst s6  }
0xf: {  	[smem:$0x3FB1] =	sst s7  }
0x10: {  	[smem:$0x3FB2] =	sst s8  }
0x11: {  	[smem:$0x3FB3] =	sst s9;
	s0 =	simm.s32 @!p0 $0x0  }
0x12: {  	s1 =	sld [smem:$0x3F99];
	s0 =	simm.s32 @p0 $0x1  }
0x13: {  	[smem:$0x3FB4] =	sst s0;
	s0 =	simm.s32 @!p1 $0x0  }
0x14: {  	s2 =	sld [smem:$0x3F98];
	s0 =	simm.s32 @p1 $0x1  }
0x15: {  	[smem:$0x3FB5] =	sst s0;
	s0 =	simm.s32 @!p2 $0x0  }
0x16: {  	s3 =	sld [smem:$0x3FDB];
	s0 =	simm.s32 @p2 $0x1  }
0x17: {  	s4 =	simm.s32 $0x1BF5;
	[smem:$0x3FB7] =	sst s0  }
0x18: {  	s0 =	sld [smem:$0x3F9A];
	_ =	swait.ge [sflag:s4], $0x0  }
0x19: {  	s7 =	sld [smem:$0x3F9B]  }
0x1a: {  	s8 =	sadd.s32 $0xFFFFE003, lr  }
0x1b: {  	s9 =	sadd.s32 $0xFFFFFEF7, lr;
	s5 =	simm.s32 $0xFFFFFFFF;
	p2 =	slt.u32 s8, $0xFFFFF086  }
0x1c: {  	p1 =	slt.u32 s9, $0xF7A;
	s5 =	simm.s32 @!p2 $0x0  }
0x1d: {  	s5 =	simm.s32 @p1 $0x1;
	p0 =	seq.s32 s7, s2  }
0x1e: {  	s7 =	smul.u32 @!p0 $0xF7A, s2;
	p2 =	seq.s32 @!p0 s5, $0x0  }
0x1f: {  	s9 =	smul.u32 $0xF7A, s1;
	s8 =	simm.s32 @!p0 $0x1BF5;
	p2 =	por !p2, p0  }
0x20: {  	[sflag:s8] =	ssyncset.s32 @!p0 $0xFFFFF086;
	s6 =	sadd.s32 @!p0 s3, s7;
	s7 =	simm.s32 @!p0 $0x108  }
0x21: {  	s3 =	sadd.s32 s3, s9;
	s6 =	sadd.s32 @!p0 $0x88, s6;
	s7 =	simm.s32 @p2 $0x1082  }
0x22: {  	[simem:s7], [sflag:s8] =	dma.local @!p0 [hbm:s6], $0xF7A  }
0x23: {  	s9 =	sor.u32 $0xD0000000, s2;
	s6 =	simm.s32 $0x108;
	_ =	swait.ge @!p0 [sflag:s8], $0x0  }
0x24: {  	s3 =	sadd.s32 $0x88, s3;
	s6 =	simm.s32 @!p1 $0x1082;
	[sflag:s4] =	ssyncset.s32 $0xFFFFF086  }
0x25: {  	[simem:s6], [sflag:s4] =	dma.local [hbm:s3], $0xF7A  }
0x26: {  	[smem:$0x3F9B] =	sst s1;
	(tag) =	ssettag s2;
	_ =	strace s9  }
0x27: {  	s1 =	sld [smem:$0x3FAB]  }
0x28: {  	s2 =	sld [smem:$0x3FAC]  }
0x29: {  	s4 =	sld [smem:$0x3FAE]  }
0x2a: {  	p0 =	seq.s32 s5, $0x0;
	s5 =	sld [smem:$0x3FAF]  }
0x2b: {  	s6 =	sld [smem:$0x3FB0]  }
0x2c: {  	s7 =	sld [smem:$0x3FB1]  }
0x2d: {  	s3 =	simm.s32 $0x108;
	s8 =	sld [smem:$0x3FB2]  }
0x2e: {  	s3 =	simm.s32 @!p0 $0x1082;
	s9 =	sld [smem:$0x3FB3]  }
0x2f: {  	lr =	sadd.s32 s0, s3;
	s0 =	sld [smem:$0x3FAA]  }
0x30: {  	s3 =	sld [smem:$0x3FAD]  }
0x31: {  	[smem:$0x3FB6] =	sst s10  }
0x32: {  	s10 =	sld [smem:$0x3FB4];
	_ =	sdelay $0x3  }
0x33: {  	p0 =	seq.s32 s10, $0x1;
	s10 =	sld [smem:$0x3FB6];
	_ =	sdelay $0x3  }
0x34: {  	[smem:$0x3FB6] =	sst s10  }
0x35: {  	s10 =	sld [smem:$0x3FB5];
	_ =	sdelay $0x3  }
0x36: {  	p1 =	seq.s32 s10, $0x1;
	s10 =	sld [smem:$0x3FB6];
	_ =	sdelay $0x3  }
0x37: {  	[smem:$0x3FB6] =	sst s10  }
0x38: {  	s10 =	sld [smem:$0x3FB7]  }
0x39: {  	_ = 	snop;
	(pc) =	sbr.ind lr, $3  }
0x3a: {  	_ = 	snop  }
0x3b: {  	_ = 	snop  }
0x3c: {  	p2 =	seq.s32 s10, $0x1;
	s10 =	sld [smem:$0x3FB6]  }
0x3d: {  	_ =	shalt  }
0x3e: {  	_ =	shalt  }
0x3f: {  	_ =	shalt  }
0x40: {  	_ =	shalt  }
0x41: {  	_ =	shalt  }
0x42: {  	_ =	shalt  }
0x43: {  	_ =	shalt  }
0x44: {  	_ =	shalt  }
0x45: {  	_ =	shalt  }
0x46: {  	_ =	shalt  }
0x47: {  	_ =	shalt  }
0x48: {  	_ =	shalt  }
0x49: {  	_ =	shalt  }
0x4a: {  	_ =	shalt  }
0x4b: {  	_ =	shalt  }
0x4c: {  	_ =	shalt  }
0x4d: {  	_ =	shalt  }
0x4e: {  	_ =	shalt  }
0x4f: {  	_ =	shalt  }
0x50: {  	_ =	shalt  }
0x51: {  	_ =	shalt  }
0x52: {  	_ =	shalt  }
0x53: {  	_ =	shalt  }
0x54: {  	_ =	shalt  }
0x55: {  	_ =	shalt  }
0x56: {  	_ =	shalt  }
0x57: {  	_ =	shalt  }
0x58: {  	_ =	shalt  }
0x59: {  	_ =	shalt  }
0x5a: {  	_ =	shalt  }
0x5b: {  	_ =	shalt  }
0x5c: {  	_ =	shalt  }
0x5d: {  	_ =	shalt  }
0x5e: {  	_ =	shalt  }
0x5f: {  	_ =	shalt  }
0x60: {  	_ =	shalt  }
0x61: {  	_ =	shalt  }
0x62: {  	_ =	shalt  }
0x63: {  	_ =	shalt  }
0x64: {  	_ =	shalt  }
0x65: {  	_ =	shalt  }
0x66: {  	_ =	shalt  }
0x67: {  	_ =	shalt  }
0x68: {  	_ =	shalt  }
0x69: {  	_ =	shalt  }
0x6a: {  	_ =	shalt  }
0x6b: {  	_ =	shalt  }
0x6c: {  	_ =	shalt  }
0x6d: {  	_ =	shalt  }
0x6e: {  	_ =	shalt  }
0x6f: {  	_ =	shalt  }
0x70: {  	_ =	shalt  }
0x71: {  	_ =	shalt  }
0x72: {  	_ =	shalt  }
0x73: {  	_ =	shalt  }
0x74: {  	_ =	shalt  }
0x75: {  	_ =	shalt  }
0x76: {  	_ =	shalt  }
0x77: {  	_ =	shalt  }
0x78: {  	_ =	shalt  }
0x79: {  	_ =	shalt  }
0x7a: {  	_ =	shalt  }
0x7b: {  	_ =	shalt  }
0x7c: {  	_ =	shalt  }
0x7d: {  	_ =	shalt  }
0x7e: {  	_ =	shalt  }
0x7f: {  	_ =	shalt  }
0x80: {  	_ =	shalt  }
0x81: {  	_ =	shalt  }
0x82: {  	_ =	shalt  }
0x83: {  	_ =	shalt  }
0x84: {  	_ =	shalt  }
0x85: {  	_ =	shalt  }
0x86: {  	_ =	shalt  }
0x87: {  	_ =	shalt  }
.Lfunc_end0:
.L_simem_size_0:
called_computation.2_lowered:
.L_overlay_start_0:
0x88: {  	s2 =	sld [smem:$0x3FD9]  }
0x89: {  	s3 =	sld [smem:$0x3FFE];
	_ =	sdelay $0x1  }
0x8a: {  	s1 =	srdreg.scid  }
0x8b: {  	s0 =	sand.u32 $0x1, s1  }
0x8c: {  	s17 =	sshll.u32 s0, $0xA;
	s2 =	sadd.s32 s3, s2  }
0x8d: {  	s2 =	sadd.s32 s2, s17  }
0x8e: {  	[smem:$0x3FC2] =	sst s2  }
0x8f: {  	_ = 	snop  }
0x90: {  	s2 =	sld [smem:$0x3FD0];
	(tm) =	ssettm $0x1  }
0x91: {  	s18 =	sld [smem:$0x3FFB];
	_ =	sdelay $0x3  }
0x92: {  	_ =	strace s18  }
0x93: {  	s3 =	sld [smem:$0x3FFC];
	_ =	sdelay $0x3  }
0x94: {  	_ =	strace s3  }
0x95: {  	s3 =	sld [smem:$0x3FFD];
	_ =	sdelay $0x3  }
0x96: {  	_ =	strace s3  }
0x97: {  	_ =	strace $0x8FFFFFFF  }
0x98: {  	s19 =	sld [smem:$0x3FDB];
	_ =	sdelay $0x1  }
0x99: {  	s4 =	simm.s32 $_scs_section_size  }
0x9a: {  	s5 =	simm.s32 $_size__tile_overlayer_lowered;
	s6 =	simm.s32 $_tile_overlayer_lowered  }
0x9b: {  	s22 =	simm.s32 $0x1BFF;
	s21 =	sshll.u32 s6, $0x1;
	s3 =	sadd.s32 s4, s19  }
0x9c: {  	s7 =	simm.s32 $0x0;
	s20 =	sshll.u32 s5, $0x1;
	s5 =	sadd.s32 s21, s3  }
0x9d: {  	[timem:s7], [sflag:s22] =	dma.local [hbm:s5], s20  }
0x9e: {  	_ =	swait.ge [sflag:s22], s20  }
0x9f: {  	s4 =	ssub.s32 $0x0, s20;
	[sflag:s22] =	ssyncset.done $0x0  }
0xa0: {  	[sflag:s22] =	ssyncadd.s32 s4;
	_ =	sdelay $0x1  }
0xa1: {  	s23 =	simm.s32 $0x1B8B  }
0xa2: {  	_ =	swait.ge [sflag:s23], $0x1  }
0xa3: {  	[sflag:s23] =	ssyncset.done $0x0  }
0xa4: {  	s25 =	simm.s32 $0x1B8E;
	s24 =	sld [smem:$0x3FFE];
	[sflag:s23] =	ssyncadd.s32 $0xFFFFFFFF  }
0xa5: {  	s26 =	simm.s32 $execute0_lowered;
	[smem:$0x3FD2] =	sst s25  }
0xa6: {  	s5 =	sshll.u32 s26, $0x1;
	_ =	strace $0x8000004C;
	[dreg:$0x1] =	wrdreg $0xFFFFFFFF  }
0xa7: {  	s28 =	simm.s32 $_size_execute0_lowered;
	s3 =	sadd.s32 s3, s5;
	[dreg:$0x0] =	wrdreg $0x0  }
0xa8: {  	s5 =	sshll.u32 s28, $0x1;
	[dreg:$0x2] =	wrdreg s3  }
0xa9: {  	[dreg:$0x3] =	wrdreg s5  }
0xaa: {  	[dreg:$0x4] =	wrdreg $0xC0  }
0xab: {  	_ =	task [dreg:s7], $0x5FFFF  }
0xac: {  	[dreg:$0x1] =	wrdreg $0xFFFFFFFF  }
0xad: {  	[dreg:$0x0] =	wrdreg $0x60  }
0xae: {  	[dreg:$0x2] =	wrdreg s24  }
0xaf: {  	[dreg:$0x3] =	wrdreg s2  }
0xb0: {  	[dreg:$0x4] =	wrdreg $0x82000  }
0xb1: {  	[dreg:$0x5] =	wrdreg $0x9  }
0xb2: {  	_ =	task.clear_ibuf [dreg:s7], $0x6FFFF;
	_ =	strace $0x9000004C  }
0xb3: {  	s29 =	simm.s32 $0x9;
	_ =	strace $0x8000004E  }
0xb4: {  	_ =	swait.ge [sflag:s29], $0x1  }
0xb5: {  	[sflag:s29] =	ssyncadd.s32 $0xFFFFFFFF  }
0xb6: {  	_ =	strace $0x9000004E  }
0xb7: {  	_ =	sfence  }
0xb8: {  	s30 =	sld [smem:$0x0];
	_ =	sdelay $0x2  }
0xb9: {  	s31 =	sshll.u32 s1, $0xD;
	s1 =	sshrl.u32 s1, $0x2  }
0xba: {  	s3 =	sand.u32 $0x4000, s31;
	s1 =	sadd.s32 s1, s30  }
0xbb: {  	s0 =	sor.u32 s3, s0;
	s1 =	sshll.u32 s1, $0x11  }
0xbc: {  	s0 =	sor.u32 s1, s0  }
0xbd: {  	s0 =	sadd.s32 $0x8F2B, s0  }
0xbe: {  	[sflag:s0] =	ssyncadd.remote.s32 $0x1  }
0xbf: {  	_ =	sfence.sel $0xFFFF  }
0xc0: {  	[dreg:$0x0] =	wrdreg $0xFFFFFFFF;
	(pc) =	sbr.abs _section_cstart, $3  }
0xc1: {  	[dreg:$0x1] =	wrdreg $0xFFFFFFFF  }
0xc2: {  	_ =	task.clear_ibuf [dreg:s7], $0x2FFFF;
	_ =	strace $0x9FFFFFFF  }
0xc3: {  	(tm) =	ssettm $0x7FFFFFFF  }
tec
execute0_lowered:
.L_overlay_start_1:
0x0: {  	(tag) =	ssettag $0x1  }
0x1: {  	s1 =	rddreg [dreg:$0x0]  }
0x2: {  	s0 =	rddreg [dreg:$0x1];
	s3 =	srdreg.scid  }
0x3: {  	s2 =	rddreg [dreg:$0x2];
	s10 =	stileid.u32  }
0x4: {  	s28 =	simm.s32 $0x200;
	s29 =	simm.s32 $0x1;
	s5 =	smul.u32 $0x50000, s10  }
0x5: {  	s30 =	simm.s32 $0x100;
	s31 =	simm.s32 $0x180;
	s16 =	smul.u32 $0x280, s10  }
0x6: {  	s6 =	sand.u32 $0x1, s3;
	s3 =	simm.s32 $0x0;
	s20 =	smul.u32 $0x2710, s10  }
0x7: {  	s18 =	sadd.s32 $0x1E00, s1;
	s4 =	sshll.u32 s6, $0x4;
	s17 =	smul.u32 $0x2800, s6  }
0x8: {  	[smem:$0x7FF] =	sst s3;
	s8 =	ssub.s32 $0x2, s6;
	s6 =	smul.u32 $0x27100, s6  }
0x9: {  	s4 =	sor.u32 s10, s4;
	_ =	strace $0x8000004D;
	s9 =	sshrl.u32 s8, $0x1  }
0xa: {  	s5 =	sshrl.u32 s5, $0x2;
	s25 =	sadd.s32 $0x80, s16;
	s26 =	sadd.s32 $0x100, s16  }
0xb: {  	s7 =	smul.u32 $0x2710, s4;
	s4 =	sadd.s32 $0x59E00, s1;
	s1 =	sadd.s32 $0x81000, s1  }
0xc: {  	s9 =	ssub.s32 s8, s9;
	s21 =	sadd.s32 s17, s16;
	s5 =	sadd.s32 s5, s2  }
0xd: {  	s14 =	sshll.u32 s25, $0x7;
	s15 =	sshll.u32 s26, $0x7;
	s19 =	sadd.s32 s17, s26  }
0xe: {  	s6 =	sadd.s32 s20, s6;
	s20 =	simm.s32 $0x4200;
	s8 =	sshll.u32 s21, $0x4  }
0xf: {  	s23 =	smax.u32 s9, $0x1;
	s24 =	sadd.s32 $0x4000, s5;
	s12 =	sadd.s32 $0xC000, s5  }
0x10: {  	s13 =	sadd.s32 $0x10000, s5;
	s9 =	sadd.s32 $0x180, s16;
	s21 =	sadd.s32 $0x200, s16  }
0x11: {  	s26 =	sshrl.u32 s6, $0x3;
	s7 =	sshrl.u32 s7, $0x3;
	[dreg:$0x7] =	wrdreg s23  }
0x12: {  	s22 =	sadd.s32 s1, s8;
	[dreg:$0x8] =	wrdreg s24;
	s8 =	sshll.u32 s19, $0x4  }
0x13: {  	s10 =	sshll.u32 s9, $0x7;
	s19 =	sadd.s32 s17, s9;
	s7 =	sadd.s32 $0x4E0, s7  }
0x14: {  	[dreg:$0x6] =	wrdreg s22;
	s22 =	sadd.s32 s14, s2;
	s24 =	sadd.s32 s10, s2  }
0x15: {  	s23 =	sshll.u32 s19, $0x4;
	s19 =	sadd.s32 s26, s0;
	s11 =	sadd.s32 s0, s7  }
0x16: {  	s7 =	sadd.s32 s18, s7;
	s16 =	sadd.s32 s1, s23;
	s18 =	sadd.s32 s26, s18  }
0x17: {  	s22 =	sshrl.u32 s22, $0x3;
	s24 =	sshrl.u32 s24, $0x3;
	[dreg:$0x4] =	wrdreg s11  }
0x18: {  	s26 =	simm.s32 $0x80;
	s0 =	simm.s32 $0x10;
	[dreg:$0x5] =	wrdreg s7  }
0x19: {  	s11 =	sadd.s32 $0x8000, s5;
	s7 =	sadd.s32 s17, s25;
	s17 =	sadd.s32 s17, s21  }
0x1a: {  	s25 =	sshll.u32 s21, $0x7;
	s21 =	simm.s32 $0x2;
	s7 =	sshll.u32 s7, $0x4  }
0x1b: {  	s17 =	sshll.u32 s17, $0x4;
	s25 =	sadd.s32 s25, s2;
	s14 =	sadd.s32 s1, s7  }
0x1c: {  	s7 =	sadd.s32 s15, s2;
	s15 =	sadd.s32 s1, s8;
	s17 =	sadd.s32 s1, s17  }
0x1d: {  	v0 =	vimm.f32 $0.0e+00;
	s25 =	sshrl.u32 s25, $0x3;
	s1 =	simm.s32 $0x0;
	s23 =	sshrl.u32 s7, $0x3  }
.LBB2_1:
0x1e: {  	s6 =	simm.s32 $0x0;
	s7 =	simm.s32 $0x200  }
.LBB2_2:
0x1f: {  	p0 =	sne.s32 s7, $0xFE00;
	[tilespmem:s6+$0x4270] =	vst v0  }
0x20: {  	[tilespmem:s6+$0x4200] =	vst v0  }
0x21: {  	[tilespmem:s6+$0x4210] =	vst v0  }
.Ltmp0:
0x22: {  	[tilespmem:s6+$0x4220] =	vst v0;
	(pc) =	sbr.rel @p0 .LBB2_2-.Ltmp0, $4  }
0x23: {  	[tilespmem:s6+$0x4230] =	vst v0  }
0x24: {  	[tilespmem:s6+$0x4240] =	vst v0  }
0x25: {  	[tilespmem:s6+$0x4250] =	vst v0  }
0x26: {  	[tilespmem:s6+$0x4260] =	vst v0;
	s6 =	sshra.s32 s7, $0x2;
	s7 =	sadd.s32 $0x200, s7  }
0x27: {  	[tilespmem:s6+$0x4270] =	vst v0  }
0x28: {  	[tilespmem:s6+$0x4200] =	vst v0  }
0x29: {  	[tilespmem:s6+$0x4210] =	vst v0  }
0x2a: {  	[tilespmem:s6+$0x4220] =	vst v0  }
0x2b: {  	[tilespmem:s6+$0x4230] =	vst v0  }
0x2c: {  	[tilespmem:s6+$0x4240] =	vst v0  }
0x2d: {  	[tilespmem:s6+$0x4250] =	vst v0  }
0x2e: {  	[tilespmem:s6+$0x4260] =	vst v0  }
0x2f: {  	[spmem:s5] =	stream.linear.scatter [tilespmem:s20], [sflag:$0x2], $0x4000, $0x38;
	[tilespmem:$0x1C200] =	vst v63  }
0x30: {  	_ =	swait.ge [sflag:s21], $0x4000  }
0x31: {  	[sflag:s21] =	ssyncset.done $0x0  }
0x32: {  	s8 =	rddreg [dreg:$0x8];
	[sflag:s21] =	ssyncadd.s32 $0xFFFFC000  }
0x33: {  	[spmem:s8] =	stream.linear.scatter [tilespmem:s20], [sflag:$0x2], $0x4000, $0x38;
	[tilespmem:$0x1C200] =	vst v63  }
0x34: {  	_ =	swait.ge [sflag:s21], $0x4000  }
0x35: {  	[sflag:s21] =	ssyncset.done $0x0  }
0x36: {  	[sflag:s21] =	ssyncadd.s32 $0xFFFFC000  }
0x37: {  	[spmem:s11] =	stream.linear.scatter [tilespmem:s20], [sflag:$0x2], $0x4000, $0x38;
	[tilespmem:$0x1C200] =	vst v63  }
0x38: {  	_ =	swait.ge [sflag:s21], $0x4000  }
0x39: {  	[sflag:s21] =	ssyncset.done $0x0  }
0x3a: {  	[sflag:s21] =	ssyncadd.s32 $0xFFFFC000  }
0x3b: {  	[spmem:s12] =	stream.linear.scatter [tilespmem:s20], [sflag:$0x2], $0x4000, $0x38;
	[tilespmem:$0x1C200] =	vst v63  }
0x3c: {  	_ =	swait.ge [sflag:s21], $0x4000  }
0x3d: {  	[sflag:s21] =	ssyncset.done $0x0  }
0x3e: {  	[sflag:s21] =	ssyncadd.s32 $0xFFFFC000  }
0x3f: {  	[spmem:s13] =	stream.linear.scatter [tilespmem:s20], [sflag:$0x2], $0x4000, $0x38;
	[tilespmem:$0x1C200] =	vst v63  }
0x40: {  	_ =	swait.ge [sflag:s21], $0x4000  }
0x41: {  	[sflag:s21] =	ssyncset.done $0x0  }
0x42: {  	[sflag:s21] =	ssyncadd.s32 $0xFFFFC000  }
0x43: {  	s9 =	sadd.s32 $0x0, s19;
	[bflag:$0x0] =	sbarrier.arrive $0xFFFF  }
0x44: {  	[tilespmem:s3], [sflag:$0x2] =	stream.linear.gather [hbm4b:s9+s3], $0x80, $0x38;
	[tilespmem:$0x1C200] =	vst v63  }
0x45: {  	_ =	swait.ge [sflag:s21], $0x80  }
0x46: {  	[sflag:s21] =	ssyncset.done $0x0  }
0x47: {  	s10 =	sadd.s32 $0x0, s18;
	[sflag:s21] =	ssyncadd.s32 $0xFFFFFF80  }
0x48: {  	[tilespmem:s26], [sflag:$0x2] =	stream.linear.gather [hbm4b:s10+s3], $0x80, $0x38;
	[tilespmem:$0x1C200] =	vst v63  }
0x49: {  	_ =	swait.ge [sflag:s21], $0x80  }
0x4a: {  	[sflag:s21] =	ssyncset.done $0x0  }
0x4b: {  	[sflag:s21] =	ssyncadd.s32 $0xFFFFFF80  }
0x4c: {  	[tilespmem:s28], [sflag:$0x1] =	stream.indirect.gather [hbm4b:s4+s26], $0x80, s3, s26, $0xb8;
	[tilespmem:$0x1C200] =	vst v63  }
0x4d: {  	_ =	swait.ge [sflag:s29], $0x4000  }
0x4e: {  	[sflag:s29] =	ssyncset.done $0x0  }
0x4f: {  	[sflag:s29] =	ssyncadd.s32 $0xFFFFC000  }
0x50: {  	[spmem:s2] =	stream.indirect.scatter.add.f32 [tilespmem:s28], [sflag:$0x2], $0x80, s26, s26, $0xb8;
	[tilespmem:$0x1C200] =	vst v63  }
0x51: {  	_ =	swait.ge [sflag:s21], $0x4000  }
0x52: {  	s6 =	simm.s32 $0x10;
	s7 =	simm.s32 $0x20;
	[sflag:s21] =	ssyncset.done $0x0  }
.LBB2_4:
0x53: {  	s8 =	sadd.s32 s6, s19  }
0x54: {  	[sflag:s21] =	ssyncadd.s32 $0xFFFFC000;
	s9 =	smov.u32 s7;
	s10 =	sadd.s32 $0x10, s7  }
0x55: {  	[tilespmem:s3], [sflag:$0x2] =	stream.linear.gather [hbm4b:s8+s3], $0x80, $0x38;
	[tilespmem:$0x1C200] =	vst v63  }
0x56: {  	p0 =	sne.s32 s7, $0x4D0;
	_ =	swait.ge [sflag:s21], $0x80  }
0x57: {  	[sflag:s21] =	ssyncset.done $0x0  }
0x58: {  	s7 =	sadd.s32 s6, s18;
	s6 =	smov.u32 s9;
	[sflag:s21] =	ssyncadd.s32 $0xFFFFFF80  }
0x59: {  	[tilespmem:s26], [sflag:$0x2] =	stream.linear.gather [hbm4b:s7+s3], $0x80, $0x38;
	[tilespmem:$0x1C200] =	vst v63  }
0x5a: {  	_ =	swait.ge [sflag:s21], $0x80  }
0x5b: {  	[sflag:s21] =	ssyncset.done $0x0  }
0x5c: {  	[sflag:s21] =	ssyncadd.s32 $0xFFFFFF80  }
0x5d: {  	[tilespmem:s28], [sflag:$0x1] =	stream.indirect.gather [hbm4b:s4+s26], $0x80, s3, s26, $0xb8;
	[tilespmem:$0x1C200] =	vst v63  }
0x5e: {  	_ =	swait.ge [sflag:s29], $0x4000  }
.Ltmp1:
0x5f: {  	[sflag:s29] =	ssyncset.done $0x0;
	(pc) =	sbr.rel @p0 .LBB2_4-.Ltmp1, $4  }
0x60: {  	[sflag:s29] =	ssyncadd.s32 $0xFFFFC000  }
0x61: {  	[spmem:s2] =	stream.indirect.scatter.add.f32 [tilespmem:s28], [sflag:$0x2], $0x80, s26, s26, $0xb8;
	[tilespmem:$0x1C200] =	vst v63  }
0x62: {  	_ =	swait.ge [sflag:s21], $0x4000  }
0x63: {  	s7 =	smov.u32 s10;
	[sflag:s21] =	ssyncset.done $0x0  }
0x64: {  	s7 =	sadd.s32 s6, s19;
	[sflag:s21] =	ssyncadd.s32 $0xFFFFC000  }
0x65: {  	[tilespmem:s3], [sflag:$0x2] =	stream.linear.gather [hbm4b:s7+s3], $0x80, $0x38;
	[tilespmem:$0x1C200] =	vst v63  }
0x66: {  	_ =	swait.ge [sflag:s21], $0x80  }
0x67: {  	[sflag:s21] =	ssyncset.done $0x0  }
0x68: {  	s9 =	sadd.s32 s6, s18;
	[sflag:s21] =	ssyncadd.s32 $0xFFFFFF80  }
0x69: {  	[tilespmem:s26], [sflag:$0x2] =	stream.linear.gather [hbm4b:s9+s3], $0x80, $0x38;
	[tilespmem:$0x1C200] =	vst v63  }
0x6a: {  	_ =	swait.ge [sflag:s21], $0x80  }
0x6b: {  	[sflag:s21] =	ssyncset.done $0x0  }
0x6c: {  	[sflag:s21] =	ssyncadd.s32 $0xFFFFFF80  }
0x6d: {  	[tilespmem:s28], [sflag:$0x1] =	stream.indirect.gather [hbm4b:s4+s26], $0x80, s3, s26, $0xb8;
	[tilespmem:$0x1C200] =	vst v63  }
0x6e: {  	_ =	swait.ge [sflag:s29], $0x4000  }
0x6f: {  	[sflag:s29] =	ssyncset.done $0x0  }
0x70: {  	[sflag:s29] =	ssyncadd.s32 $0xFFFFC000  }
0x71: {  	[spmem:s2] =	stream.indirect.scatter.add.f32 [tilespmem:s28], [sflag:$0x2], $0x80, s26, s26, $0xb8;
	[tilespmem:$0x1C200] =	vst v63  }
0x72: {  	_ =	swait.ge [sflag:s21], $0x4000  }
0x73: {  	[sflag:s21] =	ssyncset.done $0x0  }
0x74: {  	s10 =	rddreg [dreg:$0x4];
	[sflag:s21] =	ssyncadd.s32 $0xFFFFC000  }
0x75: {  	[tilespmem:s30], [sflag:$0x2] =	stream.linear.gather [hbm4b:s10+s3], $0x10, $0x38;
	[tilespmem:$0x1C200] =	vst v63  }
0x76: {  	_ =	swait.ge [sflag:s21], $0x10  }
0x77: {  	[sflag:s21] =	ssyncset.done $0x0  }
0x78: {  	s7 =	rddreg [dreg:$0x5];
	[sflag:s21] =	ssyncadd.s32 $0xFFFFFFF0  }
0x79: {  	[tilespmem:s31], [sflag:$0x2] =	stream.linear.gather [hbm4b:s7+s3], $0x10, $0x38;
	[tilespmem:$0x1C200] =	vst v63  }
0x7a: {  	_ =	swait.ge [sflag:s21], $0x10  }
0x7b: {  	[sflag:s21] =	ssyncset.done $0x0  }
0x7c: {  	[sflag:s21] =	ssyncadd.s32 $0xFFFFFFF0  }
0x7d: {  	[tilespmem:s28], [sflag:$0x1] =	stream.indirect.gather [hbm4b:s4+s0], $0x80, s30, s0, $0xb8;
	[tilespmem:$0x1C200] =	vst v63  }
0x7e: {  	_ =	swait.ge [sflag:s29], $0x800  }
0x7f: {  	[sflag:s29] =	ssyncset.done $0x0  }
0x80: {  	[sflag:s29] =	ssyncadd.s32 $0xFFFFF800  }
0x81: {  	[spmem:s2] =	stream.indirect.scatter.add.f32 [tilespmem:s28], [sflag:$0x2], $0x80, s31, s0, $0xb8;
	[tilespmem:$0x1C200] =	vst v63  }
0x82: {  	_ =	swait.ge [sflag:s21], $0x800  }
0x83: {  	[sflag:s21] =	ssyncset.done $0x0  }
0x84: {  	s8 =	stileid.u32;
	[sflag:s21] =	ssyncadd.s32 $0xFFFFF800  }
0x85: {  	s6 =	sshll.u32 s8, $0x6;
	[bflag:$0x0] =	sbarrier.arrive $0xFFFF  }
0x86: {  	s6 =	sor.u32 $0x1C02, s6;
	s9 =	sshrl.u32 s5, $0x3;
	s8 =	rddreg [dreg:$0x6]  }
0x87: {  	[hbm:s8], [sflag:s6] =	dma.local [spmem:s9], $0x800  }
0x88: {  	_ =	swait.ge [sflag:s21], $0x800  }
0x89: {  	[sflag:s21] =	ssyncset.done $0x0  }
0x8a: {  	[sflag:s21] =	ssyncadd.s32 $0xFFFFF800  }
0x8b: {  	[hbm:s14], [sflag:s6] =	dma.local [spmem:s22], $0x800  }
0x8c: {  	_ =	swait.ge [sflag:s21], $0x800  }
0x8d: {  	[sflag:s21] =	ssyncset.done $0x0  }
0x8e: {  	[sflag:s21] =	ssyncadd.s32 $0xFFFFF800  }
0x8f: {  	[hbm:s15], [sflag:s6] =	dma.local [spmem:s23], $0x800  }
0x90: {  	_ =	swait.ge [sflag:s21], $0x800  }
0x91: {  	[sflag:s21] =	ssyncset.done $0x0  }
0x92: {  	[sflag:s21] =	ssyncadd.s32 $0xFFFFF800  }
0x93: {  	[hbm:s16], [sflag:s6] =	dma.local [spmem:s24], $0x800  }
0x94: {  	_ =	swait.ge [sflag:s21], $0x800  }
0x95: {  	[sflag:s21] =	ssyncset.done $0x0  }
0x96: {  	[sflag:s21] =	ssyncadd.s32 $0xFFFFF800  }
0x97: {  	[hbm:s17], [sflag:s6] =	dma.local [spmem:s25], $0x800  }
0x98: {  	_ =	swait.ge [sflag:s21], $0x800  }
0x99: {  	s1 =	sadd.s32 $0x1, s1;
	s10 =	rddreg [dreg:$0x7]  }
0x9a: {  	p0 =	sne.s32 s1, s10  }
.Ltmp2:
0x9b: {  	_ = 	snop;
	(pc) =	sbr.rel @p0 .LBB2_1-.Ltmp2, $3  }
0x9c: {  	_ =	sdelay $0x1  }
0x9d: {  	[sflag:s21] =	ssyncset.done $0x0  }
0x9e: {  	[sflag:s21] =	ssyncadd.s32 $0xFFFFF800  }
0x9f: {  	_ =	sfence.sel $0x180000  }
0xa0: {  	[bflag:$0x0] =	sbarrier.arrive $0xFFFF  }
0xa1: {  	_ =	strace $0x9000004D  }
0xa2: {  	s0 =	stileid.u32;
	[bflag:$0x2] =	sbarrier.arrive $0xFFFF  }
0xa3: {  	p0 =	sne.s32 s0, $0x0;
	s0 =	rddreg [dreg:$0x3]  }
0xa4: {  	s0 =	sadd.s32 @!p0 $0x100000, s0  }
0xa5: {  	[sflag:s0] =	ssyncadd.tile.s32 @!p0 $0x1;
	_ =	shalt  }
.Lfunc_end2:
_tile_overlayer_lowered:
.L_overlay_start_2:
0xa6: {  	(tag) =	ssettag $0x2  }
0xa7: {  	s0 =	rddreg [dreg:$0x0];
	s2 =	stileid.u32  }
0xa8: {  	s1 =	rddreg [dreg:$0x1];
	p0 =	sne.s32 s2, $0x0  }
0xa9: {  	s3 =	rddreg [dreg:$0x2];
	[bflag:$0x3] =	sbarrier.arrive $0xFFFF;
	s2 =	simm.s32 @!p0 $0x1C02  }
0xaa: {  	[timem:s3], [sflag:s2] =	dma.local @!p0 [hbm:s0], s1  }
0xab: {  	s0 =	simm.s32 @!p0 $0x2  }
0xac: {  	_ =	swait.ge @!p0 [sflag:s0], s1  }
0xad: {  	s1 =	ssub.s32 @!p0 $0x0, s1;
	[sflag:s0] =	ssyncset.done @!p0 $0x0  }
0xae: {  	[sflag:s0] =	ssyncadd.s32 @!p0 s1  }
0xaf: {  	[bflag:$0x3] =	sbarrier.arrive $0xFFFF  }
0xb0: {  	_ =	shalt  }

// kernel: kernel.8.cloned.1.call-start
scs
__scs_entry_jumppad:
0x0: {  	(pc) =	sbr.rel $0x88, $3  }
0x1: {  	(tag) =	ssettag $0x0;
	lr =	simm.s32 $0x1  }
0x2: {  	[smem:$0x3F9B] =	sst lr;
	_ =	strace $0xD0000000  }
0x3: {  	_ = 	snop  }
0x4: {  	_ = 	snop  }
0x5: {  	_ = 	snop  }
0x6: {  	_ = 	snop  }
0x7: {  	_ = 	snop  }
__scs_overlays_trampoline_lowered:
0x8: {  	[smem:$0x3FAA] =	sst s0  }
0x9: {  	[smem:$0x3FAB] =	sst s1  }
0xa: {  	[smem:$0x3FAC] =	sst s2  }
0xb: {  	[smem:$0x3FAD] =	sst s3  }
0xc: {  	[smem:$0x3FAE] =	sst s4  }
0xd: {  	[smem:$0x3FAF] =	sst s5  }
0xe: {  	[smem:$0x3FB0] =	sst s6  }
0xf: {  	[smem:$0x3FB1] =	sst s7  }
0x10: {  	[smem:$0x3FB2] =	sst s8  }
0x11: {  	[smem:$0x3FB3] =	sst s9;
	s0 =	simm.s32 @!p0 $0x0  }
0x12: {  	s1 =	sld [smem:$0x3F99];
	s0 =	simm.s32 @p0 $0x1  }
0x13: {  	[smem:$0x3FB4] =	sst s0;
	s0 =	simm.s32 @!p1 $0x0  }
0x14: {  	s2 =	sld [smem:$0x3F98];
	s0 =	simm.s32 @p1 $0x1  }
0x15: {  	[smem:$0x3FB5] =	sst s0;
	s0 =	simm.s32 @!p2 $0x0  }
0x16: {  	s3 =	sld [smem:$0x3FDB];
	s0 =	simm.s32 @p2 $0x1  }
0x17: {  	s4 =	simm.s32 $0x1BF5;
	[smem:$0x3FB7] =	sst s0  }
0x18: {  	s0 =	sld [smem:$0x3F9A];
	_ =	swait.ge [sflag:s4], $0x0  }
0x19: {  	s7 =	sld [smem:$0x3F9B]  }
0x1a: {  	s8 =	sadd.s32 $0xFFFFE003, lr  }
0x1b: {  	s9 =	sadd.s32 $0xFFFFFEF7, lr;
	s5 =	simm.s32 $0xFFFFFFFF;
	p2 =	slt.u32 s8, $0xFFFFF086  }
0x1c: {  	p1 =	slt.u32 s9, $0xF7A;
	s5 =	simm.s32 @!p2 $0x0  }
0x1d: {  	s5 =	simm.s32 @p1 $0x1;
	p0 =	seq.s32 s7, s2  }
0x1e: {  	s7 =	smul.u32 @!p0 $0xF7A, s2;
	p2 =	seq.s32 @!p0 s5, $0x0  }
0x1f: {  	s9 =	smul.u32 $0xF7A, s1;
	s8 =	simm.s32 @!p0 $0x1BF5;
	p2 =	por !p2, p0  }
0x20: {  	[sflag:s8] =	ssyncset.s32 @!p0 $0xFFFFF086;
	s6 =	sadd.s32 @!p0 s3, s7;
	s7 =	simm.s32 @!p0 $0x108  }
0x21: {  	s3 =	sadd.s32 s3, s9;
	s6 =	sadd.s32 @!p0 $0x88, s6;
	s7 =	simm.s32 @p2 $0x1082  }
0x22: {  	[simem:s7], [sflag:s8] =	dma.local @!p0 [hbm:s6], $0xF7A  }
0x23: {  	s9 =	sor.u32 $0xD0000000, s2;
	s6 =	simm.s32 $0x108;
	_ =	swait.ge @!p0 [sflag:s8], $0x0  }
0x24: {  	s3 =	sadd.s32 $0x88, s3;
	s6 =	simm.s32 @!p1 $0x1082;
	[sflag:s4] =	ssyncset.s32 $0xFFFFF086  }
0x25: {  	[simem:s6], [sflag:s4] =	dma.local [hbm:s3], $0xF7A  }
0x26: {  	[smem:$0x3F9B] =	sst s1;
	(tag) =	ssettag s2;
	_ =	strace s9  }
0x27: {  	s1 =	sld [smem:$0x3FAB]  }
0x28: {  	s2 =	sld [smem:$0x3FAC]  }
0x29: {  	s4 =	sld [smem:$0x3FAE]  }
0x2a: {  	p0 =	seq.s32 s5, $0x0;
	s5 =	sld [smem:$0x3FAF]  }
0x2b: {  	s6 =	sld [smem:$0x3FB0]  }
0x2c: {  	s7 =	sld [smem:$0x3FB1]  }
0x2d: {  	s3 =	simm.s32 $0x108;
	s8 =	sld [smem:$0x3FB2]  }
0x2e: {  	s3 =	simm.s32 @!p0 $0x1082;
	s9 =	sld [smem:$0x3FB3]  }
0x2f: {  	lr =	sadd.s32 s0, s3;
	s0 =	sld [smem:$0x3FAA]  }
0x30: {  	s3 =	sld [smem:$0x3FAD]  }
0x31: {  	[smem:$0x3FB6] =	sst s10  }
0x32: {  	s10 =	sld [smem:$0x3FB4];
	_ =	sdelay $0x3  }
0x33: {  	p0 =	seq.s32 s10, $0x1;
	s10 =	sld [smem:$0x3FB6];
	_ =	sdelay $0x3  }
0x34: {  	[smem:$0x3FB6] =	sst s10  }
0x35: {  	s10 =	sld [smem:$0x3FB5];
	_ =	sdelay $0x3  }
0x36: {  	p1 =	seq.s32 s10, $0x1;
	s10 =	sld [smem:$0x3FB6];
	_ =	sdelay $0x3  }
0x37: {  	[smem:$0x3FB6] =	sst s10  }
0x38: {  	s10 =	sld [smem:$0x3FB7]  }
0x39: {  	_ = 	snop;
	(pc) =	sbr.ind lr, $3  }
0x3a: {  	_ = 	snop  }
0x3b: {  	_ = 	snop  }
0x3c: {  	p2 =	seq.s32 s10, $0x1;
	s10 =	sld [smem:$0x3FB6]  }
0x3d: {  	_ =	shalt  }
0x3e: {  	_ =	shalt  }
0x3f: {  	_ =	shalt  }
0x40: {  	_ =	shalt  }
0x41: {  	_ =	shalt  }
0x42: {  	_ =	shalt  }
0x43: {  	_ =	shalt  }
0x44: {  	_ =	shalt  }
0x45: {  	_ =	shalt  }
0x46: {  	_ =	shalt  }
0x47: {  	_ =	shalt  }
0x48: {  	_ =	shalt  }
0x49: {  	_ =	shalt  }
0x4a: {  	_ =	shalt  }
0x4b: {  	_ =	shalt  }
0x4c: {  	_ =	shalt  }
0x4d: {  	_ =	shalt  }
0x4e: {  	_ =	shalt  }
0x4f: {  	_ =	shalt  }
0x50: {  	_ =	shalt  }
0x51: {  	_ =	shalt  }
0x52: {  	_ =	shalt  }
0x53: {  	_ =	shalt  }
0x54: {  	_ =	shalt  }
0x55: {  	_ =	shalt  }
0x56: {  	_ =	shalt  }
0x57: {  	_ =	shalt  }
0x58: {  	_ =	shalt  }
0x59: {  	_ =	shalt  }
0x5a: {  	_ =	shalt  }
0x5b: {  	_ =	shalt  }
0x5c: {  	_ =	shalt  }
0x5d: {  	_ =	shalt  }
0x5e: {  	_ =	shalt  }
0x5f: {  	_ =	shalt  }
0x60: {  	_ =	shalt  }
0x61: {  	_ =	shalt  }
0x62: {  	_ =	shalt  }
0x63: {  	_ =	shalt  }
0x64: {  	_ =	shalt  }
0x65: {  	_ =	shalt  }
0x66: {  	_ =	shalt  }
0x67: {  	_ =	shalt  }
0x68: {  	_ =	shalt  }
0x69: {  	_ =	shalt  }
0x6a: {  	_ =	shalt  }
0x6b: {  	_ =	shalt  }
0x6c: {  	_ =	shalt  }
0x6d: {  	_ =	shalt  }
0x6e: {  	_ =	shalt  }
0x6f: {  	_ =	shalt  }
0x70: {  	_ =	shalt  }
0x71: {  	_ =	shalt  }
0x72: {  	_ =	shalt  }
0x73: {  	_ =	shalt  }
0x74: {  	_ =	shalt  }
0x75: {  	_ =	shalt  }
0x76: {  	_ =	shalt  }
0x77: {  	_ =	shalt  }
0x78: {  	_ =	shalt  }
0x79: {  	_ =	shalt  }
0x7a: {  	_ =	shalt  }
0x7b: {  	_ =	shalt  }
0x7c: {  	_ =	shalt  }
0x7d: {  	_ =	shalt  }
0x7e: {  	_ =	shalt  }
0x7f: {  	_ =	shalt  }
0x80: {  	_ =	shalt  }
0x81: {  	_ =	shalt  }
0x82: {  	_ =	shalt  }
0x83: {  	_ =	shalt  }
0x84: {  	_ =	shalt  }
0x85: {  	_ =	shalt  }
0x86: {  	_ =	shalt  }
0x87: {  	_ =	shalt  }
.Lfunc_end0:
.L_simem_size_0:
called_computation_lowered:
.L_overlay_start_0:
0x88: {  	s2 =	sld [smem:$0x3FD9]  }
0x89: {  	s3 =	sld [smem:$0x3FFE];
	_ =	sdelay $0x1  }
0x8a: {  	s1 =	srdreg.scid  }
0x8b: {  	s0 =	sand.u32 $0x1, s1  }
0x8c: {  	s16 =	sshll.u32 s0, $0xA;
	s2 =	sadd.s32 s3, s2  }
0x8d: {  	s2 =	sadd.s32 s2, s16  }
0x8e: {  	[smem:$0x3FC2] =	sst s2  }
0x8f: {  	_ = 	snop  }
0x90: {  	(tm) =	ssettm $0x1  }
0x91: {  	s17 =	sld [smem:$0x3FFB];
	_ =	sdelay $0x3  }
0x92: {  	_ =	strace s17  }
0x93: {  	s2 =	sld [smem:$0x3FFC];
	_ =	sdelay $0x3  }
0x94: {  	_ =	strace s2  }
0x95: {  	s2 =	sld [smem:$0x3FFD];
	_ =	sdelay $0x3  }
0x96: {  	_ =	strace s2  }
0x97: {  	_ =	strace $0x8FFFFFFF  }
0x98: {  	s18 =	sld [smem:$0x3FDB];
	_ =	sdelay $0x1  }
0x99: {  	s19 =	simm.s32 $_scs_section_size  }
0x9a: {  	s4 =	simm.s32 $_size__tile_overlayer_lowered;
	s5 =	simm.s32 $_tile_overlayer_lowered  }
0x9b: {  	s22 =	simm.s32 $0x1BFF;
	s21 =	sshll.u32 s5, $0x1;
	s2 =	sadd.s32 s19, s18  }
0x9c: {  	s6 =	simm.s32 $0x0;
	s20 =	sshll.u32 s4, $0x1;
	s4 =	sadd.s32 s21, s2  }
0x9d: {  	[timem:s6], [sflag:s22] =	dma.local [hbm:s4], s20  }
0x9e: {  	_ =	swait.ge [sflag:s22], s20  }
0x9f: {  	s3 =	ssub.s32 $0x0, s20;
	[sflag:s22] =	ssyncset.done $0x0  }
0xa0: {  	[sflag:s22] =	ssyncadd.s32 s3;
	_ =	sdelay $0x1  }
0xa1: {  	s23 =	simm.s32 $0x1B8B  }
0xa2: {  	_ =	swait.ge [sflag:s23], $0x1  }
0xa3: {  	[sflag:s23] =	ssyncset.done $0x0  }
0xa4: {  	s25 =	simm.s32 $0x1B8E;
	s24 =	sld [smem:$0x3FFE];
	[sflag:s23] =	ssyncadd.s32 $0xFFFFFFFF  }
0xa5: {  	s26 =	simm.s32 $execute0_lowered;
	[smem:$0x3FD2] =	sst s25  }
0xa6: {  	s4 =	sshll.u32 s26, $0x1;
	_ =	strace $0x80000046;
	[dreg:$0x1] =	wrdreg $0xFFFFFFFF  }
0xa7: {  	s28 =	simm.s32 $_size_execute0_lowered;
	s2 =	sadd.s32 s2, s4;
	[dreg:$0x0] =	wrdreg $0x0  }
0xa8: {  	s4 =	sshll.u32 s28, $0x1;
	[dreg:$0x2] =	wrdreg s2  }
0xa9: {  	[dreg:$0x3] =	wrdreg s4  }
0xaa: {  	[dreg:$0x4] =	wrdreg $0xC0  }
0xab: {  	_ =	task [dreg:s6], $0x5FFFF  }
0xac: {  	[dreg:$0x1] =	wrdreg $0xFFFFFFFF  }
0xad: {  	[dreg:$0x0] =	wrdreg $0x60  }
0xae: {  	[dreg:$0x2] =	wrdreg s24  }
0xaf: {  	[dreg:$0x3] =	wrdreg $0x81000  }
0xb0: {  	[dreg:$0x4] =	wrdreg $0x9  }
0xb1: {  	_ =	task.clear_ibuf [dreg:s6], $0x5FFFF;
	_ =	strace $0x90000046  }
0xb2: {  	s29 =	simm.s32 $0x9;
	_ =	strace $0x80000048  }
0xb3: {  	_ =	swait.ge [sflag:s29], $0x1  }
0xb4: {  	[sflag:s29] =	ssyncadd.s32 $0xFFFFFFFF  }
0xb5: {  	_ =	strace $0x90000048  }
0xb6: {  	_ =	sfence  }
0xb7: {  	s30 =	sld [smem:$0x0];
	_ =	sdelay $0x2  }
0xb8: {  	s31 =	sshll.u32 s1, $0xD;
	s1 =	sshrl.u32 s1, $0x2  }
0xb9: {  	s3 =	sand.u32 $0x4000, s31;
	s1 =	sadd.s32 s1, s30  }
0xba: {  	s0 =	sor.u32 s3, s0;
	s1 =	sshll.u32 s1, $0x11  }
0xbb: {  	s0 =	sor.u32 s1, s0  }
0xbc: {  	s0 =	sadd.s32 $0x8F2B, s0  }
0xbd: {  	[sflag:s0] =	ssyncadd.remote.s32 $0x1  }
0xbe: {  	_ =	sfence.sel $0xFFFF  }
0xbf: {  	[dreg:$0x0] =	wrdreg $0xFFFFFFFF;
	(pc) =	sbr.abs _section_cstart, $3  }
0xc0: {  	[dreg:$0x1] =	wrdreg $0xFFFFFFFF  }
0xc1: {  	_ =	task.clear_ibuf [dreg:s6], $0x2FFFF;
	_ =	strace $0x9FFFFFFF  }
0xc2: {  	(tm) =	ssettm $0x7FFFFFFF  }
0xc3: {  	_ =	shalt  }
tec
execute0_lowered:
.L_overlay_start_1:
0x0: {  	(tag) =	ssettag $0x1  }
0x1: {  	s4 =	rddreg [dreg:$0x0];
	s0 =	srdreg.scid  }
0x2: {  	s2 =	rddreg [dreg:$0x1];
	s1 =	stileid.u32  }
0x3: {  	s3 =	simm.s32 $0x0;
	s14 =	sand.u32 $0x1, s0;
	s0 =	rddreg [dreg:$0x2]  }
0x4: {  	s6 =	smul.u32 $0x50000, s1;
	[smem:$0x7FF] =	sst s3  }
0x5: {  	s15 =	smul.u32 $0x280, s1;
	s16 =	sadd.s32 $0x1E00, s4;
	s18 =	sadd.s32 $0xBC00, s4  }
0x6: {  	s29 =	smul.u32 $0x2710, s1;
	s5 =	sshll.u32 s14, $0x4;
	_ =	strace $0x80000047  }
0x7: {  	s7 =	ssub.s32 $0x2, s14;
	s17 =	smul.u32 $0x2800, s14;
	s5 =	sor.u32 s1, s5  }
0x8: {  	s8 =	sshrl.u32 s7, $0x1;
	s20 =	sshrl.u32 s6, $0x2;
	s12 =	sadd.s32 $0x80, s15  }
0x9: {  	s24 =	sadd.s32 $0x100, s15;
	s25 =	sadd.s32 $0x180, s15;
	s5 =	smul.u32 $0x2710, s5  }
0xa: {  	s7 =	ssub.s32 s7, s8;
	s22 =	sadd.s32 s17, s15;
	s4 =	sadd.s32 s20, s2  }
0xb: {  	s13 =	sshll.u32 s12, $0x7;
	s12 =	sadd.s32 s17, s12;
	s20 =	sadd.s32 s17, s25  }
0xc: {  	s26 =	sshll.u32 s25, $0x7;
	s15 =	sadd.s32 $0x200, s15;
	s23 =	sshll.u32 s22, $0x4  }
0xd: {  	s7 =	smax.u32 s7, $0x1;
	s8 =	sadd.s32 $0x4000, s4;
	s9 =	sadd.s32 $0x8000, s4  }
0xe: {  	s10 =	sadd.s32 $0xC000, s4;
	s11 =	sadd.s32 $0x10000, s4;
	s22 =	sadd.s32 s13, s2  }
0xf: {  	s12 =	sshll.u32 s12, $0x4;
	s13 =	sadd.s32 s17, s24;
	s28 =	sshll.u32 s20, $0x4  }
0x10: {  	s30 =	sshll.u32 s15, $0x7;
	s15 =	sadd.s32 s17, s15;
	s20 =	simm.s32 $0x100  }
0x11: {  	s19 =	sshrl.u32 s5, $0x3;
	s6 =	sadd.s32 s18, s23;
	s12 =	sadd.s32 s18, s12  }
0x12: {  	s13 =	sshll.u32 s13, $0x4;
	s25 =	sadd.s32 s30, s2;
	s15 =	sshll.u32 s15, $0x4  }
0x13: {  	s22 =	sshrl.u32 s22, $0x3;
	s21 =	sadd.s32 s16, s19;
	s19 =	sshll.u32 s24, $0x7  }
0x14: {  	s13 =	sadd.s32 s18, s13;
	s24 =	sadd.s32 s26, s2;
	s15 =	sadd.s32 s18, s15  }
0x15: {  	s25 =	sshrl.u32 s25, $0x3;
	s5 =	sadd.s32 $0x4E0, s21;
	s21 =	smul.u32 $0x27100, s14  }
0x16: {  	s26 =	simm.s32 $0x0;
	s23 =	sadd.s32 s19, s2;
	s14 =	sadd.s32 s18, s28  }
0x17: {  	s18 =	simm.s32 $0x1;
	s19 =	simm.s32 $0x80;
	s31 =	sadd.s32 s29, s21  }
0x18: {  	s24 =	sshrl.u32 s24, $0x3;
	s23 =	sshrl.u32 s23, $0x3;
	s17 =	sshrl.u32 s31, $0x3  }
0x19: {  	v0 =	vimm.f32 $1.000000000e+00;
	v1 =	vimm.f32 $0.0e+00;
	s21 =	simm.s32 $0x10;
	s16 =	sadd.s32 s17, s16;
	s17 =	simm.s32 $0x4100  }
.LBB2_1:
0x1a: {  	s28 =	simm.s32 $0x0  }
.LBB2_2:
0x1b: {  	p0 =	sne.s32 s28, $0xFE00  }
.Ltmp0:
0x1c: {  	_ = 	snop;
	(pc) =	sbr.rel @p0 .LBB2_2-.Ltmp0, $3  }
0x1d: {  	_ =	sdelay $0x1  }
0x1e: {  	s29 =	sshra.s32 s28, $0x2  }
0x1f: {  	s28 =	sadd.s32 $0x200, s28;
	[tilespmem:s29+$0x100] =	vst v0  }
0x20: {  	s28 =	simm.s32 $0x200;
	s29 =	simm.s32 $0x0  }
.LBB2_4:
0x21: {  	p0 =	sne.s32 s28, $0xFE00;
	[tilespmem:s29+$0x4100] =	vst v1;
	s29 =	smov.u32 s28;
	s28 =	sadd.s32 $0x200, s28  }
.Ltmp1:
0x22: {  	(pc) =	sbr.rel @p0 .LBB2_4-.Ltmp1, $2  }
0x23: {  	_ =	sdelay $0x2  }
0x24: {  	s29 =	sshra.s32 s29, $0x2  }
0x25: {  	[tilespmem:s29+$0x4100] =	vst v1  }
0x26: {  	[spmem:s4] =	stream.linear.scatter [tilespmem:s17], [sflag:$0x1], $0x4000, $0x38;
	[tilespmem:$0xA900] =	vst v63  }
0x27: {  	_ =	swait.ge [sflag:s18], $0x4000  }
0x28: {  	[sflag:s18] =	ssyncset.done $0x0  }
0x29: {  	[sflag:s18] =	ssyncadd.s32 $0xFFFFC000  }
0x2a: {  	[spmem:s8] =	stream.linear.scatter [tilespmem:s17], [sflag:$0x1], $0x4000, $0x38;
	[tilespmem:$0xA900] =	vst v63  }
0x2b: {  	_ =	swait.ge [sflag:s18], $0x4000  }
0x2c: {  	[sflag:s18] =	ssyncset.done $0x0  }
0x2d: {  	[sflag:s18] =	ssyncadd.s32 $0xFFFFC000  }
0x2e: {  	[spmem:s9] =	stream.linear.scatter [tilespmem:s17], [sflag:$0x1], $0x4000, $0x38;
	[tilespmem:$0xA900] =	vst v63  }
0x2f: {  	_ =	swait.ge [sflag:s18], $0x4000  }
0x30: {  	[sflag:s18] =	ssyncset.done $0x0  }
0x31: {  	[sflag:s18] =	ssyncadd.s32 $0xFFFFC000  }
0x32: {  	[spmem:s10] =	stream.linear.scatter [tilespmem:s17], [sflag:$0x1], $0x4000, $0x38;
	[tilespmem:$0xA900] =	vst v63  }
0x33: {  	_ =	swait.ge [sflag:s18], $0x4000  }
0x34: {  	[sflag:s18] =	ssyncset.done $0x0  }
0x35: {  	[sflag:s18] =	ssyncadd.s32 $0xFFFFC000  }
0x36: {  	[spmem:s11] =	stream.linear.scatter [tilespmem:s17], [sflag:$0x1], $0x4000, $0x38;
	[tilespmem:$0xA900] =	vst v63  }
0x37: {  	_ =	swait.ge [sflag:s18], $0x4000  }
0x38: {  	[sflag:s18] =	ssyncset.done $0x0  }
0x39: {  	[sflag:s18] =	ssyncadd.s32 $0xFFFFC000  }
0x3a: {  	s28 =	sadd.s32 $0x0, s16;
	[bflag:$0x0] =	sbarrier.arrive $0xFFFF  }
0x3b: {  	[tilespmem:s3], [sflag:$0x1] =	stream.linear.gather [hbm4b:s28+s3], $0x80, $0x38;
	[tilespmem:$0xA900] =	vst v63  }
0x3c: {  	_ =	swait.ge [sflag:s18], $0x80  }
0x3d: {  	[sflag:s18] =	ssyncset.done $0x0  }
0x3e: {  	[sflag:s18] =	ssyncadd.s32 $0xFFFFFF80  }
0x3f: {  	[spmem:s2] =	stream.indirect.scatter.add.f32 [tilespmem:s20], [sflag:$0x1], $0x10, s3, s19, $0xb8;
	[tilespmem:$0xA900] =	vst v63  }
0x40: {  	_ =	swait.ge [sflag:s18], $0x800  }
0x41: {  	s29 =	simm.s32 $0x20;
	s28 =	simm.s32 $0x10;
	[sflag:s18] =	ssyncset.done $0x0  }
.LBB2_6:
0x42: {  	s30 =	sadd.s32 s28, s16  }
0x43: {  	[sflag:s18] =	ssyncadd.s32 $0xFFFFF800;
	s28 =	smov.u32 s29;
	s31 =	sadd.s32 $0x10, s29  }
0x44: {  	[tilespmem:s3], [sflag:$0x1] =	stream.linear.gather [hbm4b:s30+s3], $0x80, $0x38;
	[tilespmem:$0xA900] =	vst v63  }
0x45: {  	p0 =	sne.s32 s29, $0x4D0;
	_ =	swait.ge [sflag:s18], $0x80  }
.Ltmp2:
0x46: {  	[sflag:s18] =	ssyncset.done $0x0;
	(pc) =	sbr.rel @p0 .LBB2_6-.Ltmp2, $4  }
0x47: {  	[sflag:s18] =	ssyncadd.s32 $0xFFFFFF80  }
0x48: {  	[spmem:s2] =	stream.indirect.scatter.add.f32 [tilespmem:s20], [sflag:$0x1], $0x10, s3, s19, $0xb8;
	[tilespmem:$0xA900] =	vst v63  }
0x49: {  	_ =	swait.ge [sflag:s18], $0x800  }
0x4a: {  	s29 =	smov.u32 s31;
	[sflag:s18] =	ssyncset.done $0x0  }
0x4b: {  	s28 =	sadd.s32 s28, s16;
	[sflag:s18] =	ssyncadd.s32 $0xFFFFF800  }
0x4c: {  	[tilespmem:s3], [sflag:$0x1] =	stream.linear.gather [hbm4b:s28+s3], $0x80, $0x38;
	[tilespmem:$0xA900] =	vst v63  }
0x4d: {  	_ =	swait.ge [sflag:s18], $0x80  }
0x4e: {  	[sflag:s18] =	ssyncset.done $0x0  }
0x4f: {  	[sflag:s18] =	ssyncadd.s32 $0xFFFFFF80  }
0x50: {  	[spmem:s2] =	stream.indirect.scatter.add.f32 [tilespmem:s20], [sflag:$0x1], $0x10, s3, s19, $0xb8;
	[tilespmem:$0xA900] =	vst v63  }
0x51: {  	_ =	swait.ge [sflag:s18], $0x800  }
0x52: {  	[sflag:s18] =	ssyncset.done $0x0  }
0x53: {  	[sflag:s18] =	ssyncadd.s32 $0xFFFFF800  }
0x54: {  	[tilespmem:s19], [sflag:$0x1] =	stream.linear.gather [hbm4b:s5+s3], $0x10, $0x38;
	[tilespmem:$0xA900] =	vst v63  }
0x55: {  	_ =	swait.ge [sflag:s18], $0x10  }
0x56: {  	[sflag:s18] =	ssyncset.done $0x0  }
0x57: {  	[sflag:s18] =	ssyncadd.s32 $0xFFFFFFF0  }
0x58: {  	[spmem:s2] =	stream.indirect.scatter.add.f32 [tilespmem:s20], [sflag:$0x1], $0x10, s19, s21, $0xb8;
	[tilespmem:$0xA900] =	vst v63  }
0x59: {  	_ =	swait.ge [sflag:s18], $0x100  }
0x5a: {  	[sflag:s18] =	ssyncset.done $0x0  }
0x5b: {  	s31 =	sshll.u32 s1, $0x6;
	[sflag:s18] =	ssyncadd.s32 $0xFFFFFF00  }
0x5c: {  	s29 =	sshrl.u32 s4, $0x3;
	s28 =	sor.u32 $0x1C01, s31;
	[bflag:$0x0] =	sbarrier.arrive $0xFFFF  }
0x5d: {  	[hbm:s6], [sflag:s28] =	dma.local [spmem:s29], $0x800  }
0x5e: {  	_ =	swait.ge [sflag:s18], $0x800  }
0x5f: {  	[sflag:s18] =	ssyncset.done $0x0  }
0x60: {  	[sflag:s18] =	ssyncadd.s32 $0xFFFFF800  }
0x61: {  	[hbm:s12], [sflag:s28] =	dma.local [spmem:s22], $0x800  }
0x62: {  	_ =	swait.ge [sflag:s18], $0x800  }
0x63: {  	[sflag:s18] =	ssyncset.done $0x0  }
0x64: {  	[sflag:s18] =	ssyncadd.s32 $0xFFFFF800  }
0x65: {  	[hbm:s13], [sflag:s28] =	dma.local [spmem:s23], $0x800  }
0x66: {  	_ =	swait.ge [sflag:s18], $0x800  }
0x67: {  	[sflag:s18] =	ssyncset.done $0x0  }
0x68: {  	[sflag:s18] =	ssyncadd.s32 $0xFFFFF800  }
0x69: {  	[hbm:s14], [sflag:s28] =	dma.local [spmem:s24], $0x800  }
0x6a: {  	s26 =	sadd.s32 $0x1, s26;
	_ =	swait.ge [sflag:s18], $0x800  }
0x6b: {  	p0 =	sne.s32 s26, s7;
	[sflag:s18] =	ssyncset.done $0x0  }
.Ltmp3:
0x6c: {  	[sflag:s18] =	ssyncadd.s32 $0xFFFFF800;
	(pc) =	sbr.rel @p0 .LBB2_1-.Ltmp3, $4  }
0x6d: {  	[hbm:s15], [sflag:s28] =	dma.local [spmem:s25], $0x800  }
0x6e: {  	_ =	swait.ge [sflag:s18], $0x800  }
0x6f: {  	[sflag:s18] =	ssyncset.done $0x0  }
0x70: {  	[sflag:s18] =	ssyncadd.s32 $0xFFFFF800  }
0x71: {  	_ =	sfence.sel $0x180000  }
0x72: {  	[bflag:$0x0] =	sbarrier.arrive $0xFFFF  }
0x73: {  	p0 =	sne.s32 s1, $0x0;
	_ =	strace $0x90000047  }
0x74: {  	s0 =	sadd.s32 @!p0 $0x100000, s0;
	[bflag:$0x2] =	sbarrier.arrive $0xFFFF  }
0x75: {  	[sflag:s0] =	ssyncadd.tile.s32 @!p0 $0x1;
	_ =	shalt  }
.Lfunc_end2:
_tile_overlayer_lowered:
.L_overlay_start_2:
0x76: {  	(tag) =	ssettag $0x2  }
0x77: {  	s0 =	rddreg [dreg:$0x0];
	s2 =	stileid.u32  }
0x78: {  	s1 =	rddreg [dreg:$0x1];
	p0 =	sne.s32 s2, $0x0  }
0x79: {  	s3 =	rddreg [dreg:$0x2];
	[bflag:$0x3] =	sbarrier.arrive $0xFFFF;
	s2 =	simm.s32 @!p0 $0x1C01  }
0x7a: {  	[timem:s3], [sflag:s2] =	dma.local @!p0 [hbm:s0], s1  }
0x7b: {  	s0 =	simm.s32 @!p0 $0x1  }
0x7c: {  	_ =	swait.ge @!p0 [sflag:s0], s1  }
0x7d: {  	s1 =	ssub.s32 @!p0 $0x0, s1;
	[sflag:s0] =	ssyncset.done @!p0 $0x0  }
0x7e: {  	[sflag:s0] =	ssyncadd.s32 @!p0 s1  }
0x7f: {  	[bflag:$0x3] =	sbarrier.arrive $0xFFFF  }
0x80: {  	_ =	shalt  }

</sc_bundles>
